<compile_context>
chip_gen: v7x
topology: tpu7x:2x2x1
jax: 0.10.2.dev20260603
libtpu: 0.0.44.dev20260713+nightly
codegen_flags: <defaults>
</compile_context>

<pallas_src>
import jax
import jax.numpy as jnp
from jax import lax
from jax.experimental import pallas as pl
from jax.experimental.pallas import tpu as pltpu
from jax.experimental.pallas import tpu_sc as plsc

B = 1024
L = 200
DW = 300
DP = 5
DOUT = DW + 2 * DP
N = B * L
V = 100002
VP = 100096
VT = VP // 128
FT = 304 // 8
NC = 2
NS = 16
NW = NC * NS
CN = 3200
NCH = N // CN
LANES = 16
NPLANES = 10
NSH = NCH


def _gather_plane_chunk(ibuf, obuf, colbuf):
    @plsc.parallel_loop(0, CN // LANES, unroll=8)
    def _grp(g):
        sl = pl.ds(g * LANES, LANES)
        v = ibuf[sl]
        vals = plsc.load_gather(
            colbuf, [lax.shift_right_logical(v, 7), lax.bitwise_and(v, 127)])
        obuf[sl] = vals


def _gather_pos_chunk(ibuf, obuf, ptab, j):
    @plsc.parallel_loop(0, CN // LANES, unroll=8)
    def _grp(g):
        sl = pl.ds(g * LANES, LANES)
        pi = ibuf[sl]
        vals = plsc.load_gather(ptab, [pi * DP + j])
        obuf[sl] = vals


def _embed_kernel(widx_hbm, p1i_hbm, p2i_hbm, wt4_hbm, p1t_hbm, p2t_hbm,
                  out_hbm,
                  col_v, ib0, ib1, ob0, ob1, p1t_v, p2t_v, widx_sh,
                  sem_i0, sem_i1, sem_o0, sem_o1):
    sid = lax.axis_index("s")
    w = sid * NC + lax.axis_index("c")

    pltpu.sync_copy(p1t_hbm, p1t_v)
    pltpu.sync_copy(p2t_hbm, p2t_v)

    shsl = pl.ds(sid * (N // NS), N // NS)
    pltpu.sync_copy(widx_hbm.at[shsl], widx_sh.at[shsl])
    plsc.subcore_barrier()

    def plane(k, carry):
        f = jnp.where(k < 9, w + 32 * k, 288 + w)
        is_word = f < DW

        @pl.when(f < DOUT)
        def _run_plane():
            @pl.when(is_word)
            def _load_col():
                fg = lax.shift_right_logical(f, 3)
                fi = lax.bitwise_and(f, 7)
                pltpu.sync_copy(wt4_hbm.at[fg, :, fi, :], col_v)

            j1 = f - DW
            j2 = f - DW - DP
            is_p1 = jnp.logical_and(f >= DW, f < DW + DP)

            ibufs = (ib0, ib1)
            obufs = (ob0, ob1)
            isems = (sem_i0, sem_i1)
            osems = (sem_o0, sem_o1)

            def load_idx(c, buf, sem):
                src = pl.ds(c * CN, CN)

                @pl.when(is_word)
                def _():
                    pltpu.async_copy(widx_sh.at[src], buf, sem)

                @pl.when(is_p1)
                def _():
                    pltpu.async_copy(p1i_hbm.at[src], buf, sem)

                @pl.when(jnp.logical_and(jnp.logical_not(is_word),
                                         jnp.logical_not(is_p1)))
                def _():
                    pltpu.async_copy(p2i_hbm.at[src], buf, sem)

            load_idx(0, ib0, sem_i0)

            def do_chunk(c, ib, ob, isem, osem, tguard):
                pltpu.make_async_copy(widx_sh.at[pl.ds(0, CN)], ib,
                                      isem).wait()

                @pl.when(tguard)
                def _():
                    pltpu.make_async_copy(ob, out_hbm.at[0, pl.ds(0, CN)],
                                          osem).wait()

                @pl.when(is_word)
                def _():
                    _gather_plane_chunk(ib, ob, col_v)

                @pl.when(is_p1)
                def _():
                    _gather_pos_chunk(ib, ob, p1t_v, j1)

                @pl.when(jnp.logical_and(jnp.logical_not(is_word),
                                         jnp.logical_not(is_p1)))
                def _():
                    _gather_pos_chunk(ib, ob, p2t_v, j2)

                pltpu.async_copy(ob, out_hbm.at[f, pl.ds(c * CN, CN)], osem)

            def pair(t, cc):
                c0 = 2 * t
                load_idx(c0 + 1, ib1, sem_i1)
                do_chunk(c0, ib0, ob0, sem_i0, sem_o0, t > 0)

                @pl.when(t < NCH // 2 - 1)
                def _():
                    load_idx(c0 + 2, ib0, sem_i0)

                do_chunk(c0 + 1, ib1, ob1, sem_i1, sem_o1, t > 0)
                return cc

            lax.fori_loop(0, NCH // 2, pair, 0)
            pltpu.make_async_copy(ob0, out_hbm.at[0, pl.ds(0, CN)],
                                  sem_o0).wait()
            pltpu.make_async_copy(ob1, out_hbm.at[0, pl.ds(0, CN)],
                                  sem_o1).wait()

        return carry

    lax.fori_loop(0, NPLANES, plane, 0)


def kernel(word, posh, post, word_table, pos1_table, pos2_table):
    widx_t = (word.astype(jnp.int32).reshape(8, 128, 25, 8)
              .transpose(2, 0, 3, 1).reshape(N))
    p1i_t = (posh.astype(jnp.int32).reshape(8, 128, 25, 8)
             .transpose(2, 0, 3, 1).reshape(N))
    p2i_t = (post.astype(jnp.int32).reshape(8, 128, 25, 8)
             .transpose(2, 0, 3, 1).reshape(N))
    wt4 = (jnp.pad(word_table, ((0, VP - V), (0, 304 - DW)))
           .reshape(VT, 128, FT, 8).transpose(2, 0, 3, 1))
    p1_f = pos1_table.reshape(2 * L * DP)
    p2_f = pos2_table.reshape(2 * L * DP)

    run = pl.kernel(
        _embed_kernel,
        out_type=jax.ShapeDtypeStruct((DOUT, N), jnp.float32),
        mesh=plsc.VectorSubcoreMesh(core_axis_name="c", subcore_axis_name="s"),
        scratch_types=[
            pltpu.VMEM((VT, 128), jnp.float32),
            pltpu.VMEM((CN,), jnp.int32),
            pltpu.VMEM((CN,), jnp.int32),
            pltpu.VMEM((CN,), jnp.float32),
            pltpu.VMEM((CN,), jnp.float32),
            pltpu.VMEM((2 * L * DP,), jnp.float32),
            pltpu.VMEM((2 * L * DP,), jnp.float32),
            pltpu.VMEM_SHARED((NSH * CN,), jnp.int32),
            pltpu.SemaphoreType.DMA,
            pltpu.SemaphoreType.DMA,
            pltpu.SemaphoreType.DMA,
            pltpu.SemaphoreType.DMA,
        ],
        compiler_params=pltpu.CompilerParams(use_tc_tiling_on_sc=False,
                                             needs_layout_passes=False),
    )
    r = run(widx_t, p1i_t, p2i_t, wt4, p1_f, p2_f)
    return (r.reshape(DOUT, 25, 8, 8, 128).transpose(2, 4, 1, 3, 0)
            .reshape(B, L, DOUT))

# --- scband reference (transcript-rebuilt; emitter-appended) ---
"""Pipeline reference for scband-embedding-7206955122825 (READ-ONLY COPY).

The authoritative reference and input builder live on the scoring server;
editing this copy changes nothing except your own understanding.
"""

import jax, jax.numpy as jnp
import numpy as np
import math

VOCAB = 100000
D_WORD = 300
MAX_LENGTH = 200
D_POS = 5
B = 1024
L = 200


def setup_inputs(seed: int = 0) -> dict:
    key = jax.random.key(seed)
    k1, k2, k3, k4, k5, k6, k7 = jax.random.split(key, 7)
    # word_vec_mat as in torch init: random pretrained matrix
    word_vec_mat = jax.random.normal(k1, (VOCAB, D_WORD), dtype=jnp.float32) / math.sqrt(D_WORD)
    unk = jax.random.normal(k2, (1, D_WORD), dtype=jnp.float32) / math.sqrt(D_WORD)
    blk = jnp.zeros((1, D_WORD), dtype=jnp.float32)
    # word_embedding has VOCAB + 2 rows: [pretrained; unk; blk], padding_idx = VOCAB + 1 (the blk row, already zero)
    word_table = jnp.concatenate([word_vec_mat, unk, blk], axis=0)
    # pos embeddings: 2*max_length rows, padding_idx=0 -> row 0 zeroed
    pos1_table = jax.random.normal(k3, (2 * MAX_LENGTH, D_POS), dtype=jnp.float32).at[0].set(0.0)
    pos2_table = jax.random.normal(k4, (2 * MAX_LENGTH, D_POS), dtype=jnp.float32).at[0].set(0.0)
    word = jax.random.randint(k5, (B, L), 0, VOCAB, dtype=jnp.int64 if jax.config.jax_enable_x64 else jnp.int32)
    posh = jax.random.randint(k6, (B, L), 0, 2 * MAX_LENGTH)
    post = jax.random.randint(k7, (B, L), 0, 2 * MAX_LENGTH)
    return {
        "word": word,
        "posh": posh,
        "post": post,
        "word_table": word_table,
        "pos1_table": pos1_table,
        "pos2_table": pos2_table,
    }


def reference(word, posh, post, word_table, pos1_table, pos2_table):
    # x = cat([word_emb(word), pos1_emb(posh), pos2_emb(post)], dim=2)
    w = jnp.take(word_table, word, axis=0)   # [B, L, 300]
    p1 = jnp.take(pos1_table, posh, axis=0)  # [B, L, 5]
    p2 = jnp.take(pos2_table, post, axis=0)  # [B, L, 5]
    return jnp.concatenate([w, p1, p2], axis=2)  # [B, L, 310]

if __name__ == "__main__":
    import jax
    _d = setup_inputs()
    print(jax.jit(kernel)(*tuple(_d.values())))

</pallas_src>

<mosaic_0001>
#map = affine_map<(d0, d1) -> (0)>
#map1 = affine_map<(d0, d1) -> (0, 0, 0, 0)>
#map2 = affine_map<(d0, d1) -> (0, 0)>
module attributes {stable_mosaic.version = 14 : i64} {
  func.func @_embed_kernel(%arg0: i32, %arg1: i32, %arg2: memref<204800xi32, #tpu.memory_space<hbm>>, %arg3: memref<204800xi32, #tpu.memory_space<hbm>>, %arg4: memref<204800xi32, #tpu.memory_space<hbm>>, %arg5: memref<38x782x8x128xf32, #tpu.memory_space<hbm>>, %arg6: memref<2000xf32, #tpu.memory_space<hbm>>, %arg7: memref<2000xf32, #tpu.memory_space<hbm>>, %arg8: memref<310x204800xf32, #tpu.memory_space<hbm>>, %arg9: memref<782x128xf32, #tpu.memory_space<vmem>>, %arg10: memref<3200xi32, #tpu.memory_space<vmem>>, %arg11: memref<3200xi32, #tpu.memory_space<vmem>>, %arg12: memref<3200xf32, #tpu.memory_space<vmem>>, %arg13: memref<3200xf32, #tpu.memory_space<vmem>>, %arg14: memref<2000xf32, #tpu.memory_space<vmem>>, %arg15: memref<2000xf32, #tpu.memory_space<vmem>>, %arg16: memref<204800xi32, #tpu.memory_space<vmem_shared>>, %arg17: memref<!tpu.dma_semaphore, #tpu.memory_space<semaphore_mem>>, %arg18: memref<!tpu.dma_semaphore, #tpu.memory_space<semaphore_mem>>, %arg19: memref<!tpu.dma_semaphore, #tpu.memory_space<semaphore_mem>>, %arg20: memref<!tpu.dma_semaphore, #tpu.memory_space<semaphore_mem>>) attributes {dimension_semantics = [#tpu.dimension_semantics<core_parallel>, #tpu.dimension_semantics<subcore_parallel>], iteration_bounds = array<i64: 2, 16>, scalar_prefetch = 0 : i64, scratch_operands = 12 : i64, tpu.core_type = #tpu.core_type<sc_vector_subcore>, window_params = [{transform_indices = #map}, {transform_indices = #map}, {transform_indices = #map}, {transform_indices = #map1}, {transform_indices = #map}, {transform_indices = #map}, {transform_indices = #map2}]} {
    %mul3A = arith.constant 2 : i32
    %mul3A_0 = arith.muli %arg1, %mul3A : i32
    %add3A = arith.addi %mul3A_0, %arg0 : i32
    "tpu.region"() ({
      %run_scoped3A = tpu.sem_alloc : memref<!tpu.dma_semaphore, #tpu.memory_space<semaphore_mem>>
      tpu.enqueue_dma source(%arg6 : memref<2000xf32, #tpu.memory_space<hbm>>) target(%arg14 : memref<2000xf32, #tpu.memory_space<vmem>>) target_semaphore(%run_scoped3A : memref<!tpu.dma_semaphore, #tpu.memory_space<semaphore_mem>>)
      tpu.wait_dma2 semaphore(%run_scoped3A : memref<!tpu.dma_semaphore, #tpu.memory_space<semaphore_mem>>) src(%arg6 : memref<2000xf32, #tpu.memory_space<hbm>>) dst(%arg14 : memref<2000xf32, #tpu.memory_space<vmem>>)
      tpu.yield
    }) : () -> ()
    "tpu.region"() ({
      %run_scoped3A = tpu.sem_alloc : memref<!tpu.dma_semaphore, #tpu.memory_space<semaphore_mem>>
      tpu.enqueue_dma source(%arg7 : memref<2000xf32, #tpu.memory_space<hbm>>) target(%arg15 : memref<2000xf32, #tpu.memory_space<vmem>>) target_semaphore(%run_scoped3A : memref<!tpu.dma_semaphore, #tpu.memory_space<semaphore_mem>>)
      tpu.wait_dma2 semaphore(%run_scoped3A : memref<!tpu.dma_semaphore, #tpu.memory_space<semaphore_mem>>) src(%arg7 : memref<2000xf32, #tpu.memory_space<hbm>>) dst(%arg15 : memref<2000xf32, #tpu.memory_space<vmem>>)
      tpu.yield
    }) : () -> ()
    %mul3A_1 = arith.constant 12800 : i32
    %mul3A_2 = arith.muli %arg1, %mul3A_1 : i32
    "tpu.region"() ({
      %run_scoped3A = tpu.sem_alloc : memref<!tpu.dma_semaphore, #tpu.memory_space<semaphore_mem>>
      %dma_start3A = tpu.memref_slice %arg16[%mul3A_2] : memref<204800xi32, #tpu.memory_space<vmem_shared>> -> memref<12800xi32, #tpu.memory_space<vmem_shared>>
      %dma_start3A_8 = tpu.memref_slice %arg2[%mul3A_2] : memref<204800xi32, #tpu.memory_space<hbm>> -> memref<12800xi32, #tpu.memory_space<hbm>>
      tpu.enqueue_dma source(%dma_start3A_8 : memref<12800xi32, #tpu.memory_space<hbm>>) target(%dma_start3A : memref<12800xi32, #tpu.memory_space<vmem_shared>>) target_semaphore(%run_scoped3A : memref<!tpu.dma_semaphore, #tpu.memory_space<semaphore_mem>>)
      %dma_wait3A = tpu.memref_slice %arg16[%mul3A_2] : memref<204800xi32, #tpu.memory_space<vmem_shared>> -> memref<12800xi32, #tpu.memory_space<vmem_shared>>
      %dma_wait3A_9 = tpu.memref_slice %arg2[%mul3A_2] : memref<204800xi32, #tpu.memory_space<hbm>> -> memref<12800xi32, #tpu.memory_space<hbm>>
      tpu.wait_dma2 semaphore(%run_scoped3A : memref<!tpu.dma_semaphore, #tpu.memory_space<semaphore_mem>>) src(%dma_wait3A_9 : memref<12800xi32, #tpu.memory_space<hbm>>) dst(%dma_wait3A : memref<12800xi32, #tpu.memory_space<vmem_shared>>)
      tpu.yield
    }) : () -> ()
    %barrier3A = arith.constant 0 : index
    tpu.barrier barrier_id(%barrier3A)
    %scan3A = arith.constant 0 : i32
    %scan3A_3 = arith.constant 0 : i32
    %scan3A_4 = arith.constant 10 : i32
    %scan3A_5 = arith.addi %scan3A_3, %scan3A_4 : i32
    %scan3A_6 = arith.constant 1 : i32
    scf.for %scan3A_8 = %scan3A_3 to %scan3A_5 step %scan3A_6  : i32 {
      %lt3A = arith.constant 9 : i32
      %lt3A_9 = arith.cmpi slt, %scan3A_8, %lt3A : i32
      %mul3A_10 = arith.constant 32 : i32
      %mul3A_11 = arith.muli %mul3A_10, %scan3A_8 : i32
      %add3A_12 = arith.addi %add3A, %mul3A_11 : i32
      %add3A_13 = arith.constant 288 : i32
      %add3A_14 = arith.addi %add3A_13, %add3A : i32
      %select_n3A = arith.select %lt3A_9, %add3A_12, %add3A_14 : i32
      %lt3A_15 = arith.constant 300 : i32
      %lt3A_16 = arith.cmpi slt, %select_n3A, %lt3A_15 : i32
      %lt3A_17 = arith.constant 310 : i32
      %lt3A_18 = arith.cmpi slt, %select_n3A, %lt3A_17 : i32
      %convert_element_type3A = arith.extui %lt3A_18 : i1 to i32
      %cond3A = arith.constant 0 : i32
      %cond3A_19 = arith.cmpi ne, %convert_element_type3A, %cond3A : i32
      scf.if %cond3A_19 {
        %convert_element_type3A_20 = arith.extui %lt3A_16 : i1 to i32
        %cond3A_21 = arith.constant 0 : i32
        %cond3A_22 = arith.cmpi ne, %convert_element_type3A_20, %cond3A_21 : i32
        scf.if %cond3A_22 {
          %shift_right_logical3A = arith.constant 3 : i32
          %shift_right_logical3A_63 = arith.shrui %select_n3A, %shift_right_logical3A : i32
          %and3A_64 = arith.constant 7 : i32
          %and3A_65 = arith.andi %select_n3A, %and3A_64 : i32
          "tpu.region"() ({
            %run_scoped3A = tpu.sem_alloc : memref<!tpu.dma_semaphore, #tpu.memory_space<semaphore_mem>>
            %dma_start3A = arith.constant 0 : i32
            %dma_start3A_66 = arith.constant 0 : i32
            %dma_start3A_67 = tpu.memref_slice %arg5[%shift_right_logical3A_63, %dma_start3A, %and3A_65, %dma_start3A_66] : memref<38x782x8x128xf32, #tpu.memory_space<hbm>> -> memref<1x782x1x128xf32, #tpu.memory_space<hbm>>
            %dma_start3A_68 = tpu.memref_squeeze %dma_start3A_67 : memref<1x782x1x128xf32, #tpu.memory_space<hbm>> -> memref<782x128xf32, #tpu.memory_space<hbm>>
            %dma_start3A_69 = arith.constant 0 : i32
            %dma_start3A_70 = arith.constant 0 : i32
            %dma_start3A_71 = tpu.memref_slice %arg5[%shift_right_logical3A_63, %dma_start3A_69, %and3A_65, %dma_start3A_70] : memref<38x782x8x128xf32, #tpu.memory_space<hbm>> -> memref<1x782x1x128xf32, #tpu.memory_space<hbm>>
            %dma_start3A_72 = tpu.memref_squeeze %dma_start3A_71 : memref<1x782x1x128xf32, #tpu.memory_space<hbm>> -> memref<782x128xf32, #tpu.memory_space<hbm>>
            tpu.enqueue_dma source(%dma_start3A_72 : memref<782x128xf32, #tpu.memory_space<hbm>>) target(%arg9 : memref<782x128xf32, #tpu.memory_space<vmem>>) target_semaphore(%run_scoped3A : memref<!tpu.dma_semaphore, #tpu.memory_space<semaphore_mem>>)
            %dma_wait3A_73 = arith.constant 0 : i32
            %dma_wait3A_74 = arith.constant 0 : i32
            %dma_wait3A_75 = tpu.memref_slice %arg5[%shift_right_logical3A_63, %dma_wait3A_73, %and3A_65, %dma_wait3A_74] : memref<38x782x8x128xf32, #tpu.memory_space<hbm>> -> memref<1x782x1x128xf32, #tpu.memory_space<hbm>>
            %dma_wait3A_76 = tpu.memref_squeeze %dma_wait3A_75 : memref<1x782x1x128xf32, #tpu.memory_space<hbm>> -> memref<782x128xf32, #tpu.memory_space<hbm>>
            %dma_wait3A_77 = arith.constant 0 : i32
            %dma_wait3A_78 = arith.constant 0 : i32
            %dma_wait3A_79 = tpu.memref_slice %arg5[%shift_right_logical3A_63, %dma_wait3A_77, %and3A_65, %dma_wait3A_78] : memref<38x782x8x128xf32, #tpu.memory_space<hbm>> -> memref<1x782x1x128xf32, #tpu.memory_space<hbm>>
            %dma_wait3A_80 = tpu.memref_squeeze %dma_wait3A_79 : memref<1x782x1x128xf32, #tpu.memory_space<hbm>> -> memref<782x128xf32, #tpu.memory_space<hbm>>
            tpu.wait_dma2 semaphore(%run_scoped3A : memref<!tpu.dma_semaphore, #tpu.memory_space<semaphore_mem>>) src(%dma_wait3A_80 : memref<782x128xf32, #tpu.memory_space<hbm>>) dst(%arg9 : memref<782x128xf32, #tpu.memory_space<vmem>>)
            tpu.yield
          }) : () -> ()
        } else {
        }
        %sub3A = arith.constant 300 : i32
        %sub3A_23 = arith.subi %select_n3A, %sub3A : i32
        %sub3A_24 = arith.constant 300 : i32
        %sub3A_25 = arith.subi %select_n3A, %sub3A_24 : i32
        %sub3A_26 = arith.constant 5 : i32
        %sub3A_27 = arith.subi %sub3A_25, %sub3A_26 : i32
        %ge3A = arith.constant 300 : i32
        %ge3A_28 = arith.cmpi sge, %select_n3A, %ge3A : i32
        %lt3A_29 = arith.constant 305 : i32
        %lt3A_30 = arith.cmpi slt, %select_n3A, %lt3A_29 : i32
        %and3A = arith.andi %ge3A_28, %lt3A_30 : i1
        %convert_element_type3A_31 = arith.extui %lt3A_16 : i1 to i32
        %cond3A_32 = arith.constant 0 : i32
        %cond3A_33 = arith.cmpi ne, %convert_element_type3A_31, %cond3A_32 : i32
        scf.if %cond3A_33 {
          %dma_start3A = arith.constant 0 : i32
          %dma_start3A_63 = tpu.memref_slice %arg16[%dma_start3A] : memref<204800xi32, #tpu.memory_space<vmem_shared>> -> memref<3200xi32, #tpu.memory_space<vmem_shared>>
          %dma_start3A_64 = arith.constant 0 : i32
          %dma_start3A_65 = tpu.memref_slice %arg16[%dma_start3A_64] : memref<204800xi32, #tpu.memory_space<vmem_shared>> -> memref<3200xi32, #tpu.memory_space<vmem_shared>>
          tpu.enqueue_dma source(%dma_start3A_65 : memref<3200xi32, #tpu.memory_space<vmem_shared>>) target(%arg10 : memref<3200xi32, #tpu.memory_space<vmem>>) target_semaphore(%arg17 : memref<!tpu.dma_semaphore, #tpu.memory_space<semaphore_mem>>)
        } else {
        }
        %convert_element_type3A_34 = arith.extui %and3A : i1 to i32
        %cond3A_35 = arith.constant 0 : i32
        %cond3A_36 = arith.cmpi ne, %convert_element_type3A_34, %cond3A_35 : i32
        scf.if %cond3A_36 {
          %dma_start3A = arith.constant 0 : i32
          %dma_start3A_63 = tpu.memref_slice %arg3[%dma_start3A] : memref<204800xi32, #tpu.memory_space<hbm>> -> memref<3200xi32, #tpu.memory_space<hbm>>
          %dma_start3A_64 = arith.constant 0 : i32
          %dma_start3A_65 = tpu.memref_slice %arg3[%dma_start3A_64] : memref<204800xi32, #tpu.memory_space<hbm>> -> memref<3200xi32, #tpu.memory_space<hbm>>
          tpu.enqueue_dma source(%dma_start3A_65 : memref<3200xi32, #tpu.memory_space<hbm>>) target(%arg10 : memref<3200xi32, #tpu.memory_space<vmem>>) target_semaphore(%arg17 : memref<!tpu.dma_semaphore, #tpu.memory_space<semaphore_mem>>)
        } else {
        }
        %not3A = arith.constant true
        %not3A_37 = arith.xori %lt3A_16, %not3A : i1
        %not3A_38 = arith.constant true
        %not3A_39 = arith.xori %and3A, %not3A_38 : i1
        %and3A_40 = arith.andi %not3A_37, %not3A_39 : i1
        %convert_element_type3A_41 = arith.extui %and3A_40 : i1 to i32
        %cond3A_42 = arith.constant 0 : i32
        %cond3A_43 = arith.cmpi ne, %convert_element_type3A_41, %cond3A_42 : i32
        scf.if %cond3A_43 {
          %dma_start3A = arith.constant 0 : i32
          %dma_start3A_63 = tpu.memref_slice %arg4[%dma_start3A] : memref<204800xi32, #tpu.memory_space<hbm>> -> memref<3200xi32, #tpu.memory_space<hbm>>
          %dma_start3A_64 = arith.constant 0 : i32
          %dma_start3A_65 = tpu.memref_slice %arg4[%dma_start3A_64] : memref<204800xi32, #tpu.memory_space<hbm>> -> memref<3200xi32, #tpu.memory_space<hbm>>
          tpu.enqueue_dma source(%dma_start3A_65 : memref<3200xi32, #tpu.memory_space<hbm>>) target(%arg10 : memref<3200xi32, #tpu.memory_space<vmem>>) target_semaphore(%arg17 : memref<!tpu.dma_semaphore, #tpu.memory_space<semaphore_mem>>)
        } else {
        }
        %scan3A_44 = arith.constant 0 : i32
        %scan3A_45 = arith.constant 0 : i32
        %scan3A_46 = arith.constant 32 : i32
        %scan3A_47 = arith.addi %scan3A_45, %scan3A_46 : i32
        %scan3A_48 = arith.constant 1 : i32
        scf.for %scan3A_63 = %scan3A_45 to %scan3A_47 step %scan3A_48  : i32 {
          %mul3A_64 = arith.constant 2 : i32
          %mul3A_65 = arith.muli %mul3A_64, %scan3A_63 : i32
          %add3A_66 = arith.constant 1 : i32
          %add3A_67 = arith.addi %mul3A_65, %add3A_66 : i32
          %mul3A_68 = arith.constant 3200 : i32
          %mul3A_69 = arith.muli %add3A_67, %mul3A_68 : i32
          %convert_element_type3A_70 = arith.extui %lt3A_16 : i1 to i32
          %cond3A_71 = arith.constant 0 : i32
          %cond3A_72 = arith.cmpi ne, %convert_element_type3A_70, %cond3A_71 : i32
          scf.if %cond3A_72 {
            %dma_start3A_147 = tpu.memref_slice %arg16[%mul3A_69] : memref<204800xi32, #tpu.memory_space<vmem_shared>> -> memref<3200xi32, #tpu.memory_space<vmem_shared>>
            %dma_start3A_148 = tpu.memref_slice %arg16[%mul3A_69] : memref<204800xi32, #tpu.memory_space<vmem_shared>> -> memref<3200xi32, #tpu.memory_space<vmem_shared>>
            tpu.enqueue_dma source(%dma_start3A_148 : memref<3200xi32, #tpu.memory_space<vmem_shared>>) target(%arg11 : memref<3200xi32, #tpu.memory_space<vmem>>) target_semaphore(%arg18 : memref<!tpu.dma_semaphore, #tpu.memory_space<semaphore_mem>>)
          } else {
          }
          %convert_element_type3A_73 = arith.extui %and3A : i1 to i32
          %cond3A_74 = arith.constant 0 : i32
          %cond3A_75 = arith.cmpi ne, %convert_element_type3A_73, %cond3A_74 : i32
          scf.if %cond3A_75 {
            %dma_start3A_147 = tpu.memref_slice %arg3[%mul3A_69] : memref<204800xi32, #tpu.memory_space<hbm>> -> memref<3200xi32, #tpu.memory_space<hbm>>
            %dma_start3A_148 = tpu.memref_slice %arg3[%mul3A_69] : memref<204800xi32, #tpu.memory_space<hbm>> -> memref<3200xi32, #tpu.memory_space<hbm>>
            tpu.enqueue_dma source(%dma_start3A_148 : memref<3200xi32, #tpu.memory_space<hbm>>) target(%arg11 : memref<3200xi32, #tpu.memory_space<vmem>>) target_semaphore(%arg18 : memref<!tpu.dma_semaphore, #tpu.memory_space<semaphore_mem>>)
          } else {
          }
          %not3A_76 = arith.constant true
          %not3A_77 = arith.xori %lt3A_16, %not3A_76 : i1
          %not3A_78 = arith.constant true
          %not3A_79 = arith.xori %and3A, %not3A_78 : i1
          %and3A_80 = arith.andi %not3A_77, %not3A_79 : i1
          %convert_element_type3A_81 = arith.extui %and3A_80 : i1 to i32
          %cond3A_82 = arith.constant 0 : i32
          %cond3A_83 = arith.cmpi ne, %convert_element_type3A_81, %cond3A_82 : i32
          scf.if %cond3A_83 {
            %dma_start3A_147 = tpu.memref_slice %arg4[%mul3A_69] : memref<204800xi32, #tpu.memory_space<hbm>> -> memref<3200xi32, #tpu.memory_space<hbm>>
            %dma_start3A_148 = tpu.memref_slice %arg4[%mul3A_69] : memref<204800xi32, #tpu.memory_space<hbm>> -> memref<3200xi32, #tpu.memory_space<hbm>>
            tpu.enqueue_dma source(%dma_start3A_148 : memref<3200xi32, #tpu.memory_space<hbm>>) target(%arg11 : memref<3200xi32, #tpu.memory_space<vmem>>) target_semaphore(%arg18 : memref<!tpu.dma_semaphore, #tpu.memory_space<semaphore_mem>>)
          } else {
          }
          %gt3A = arith.constant 0 : i32
          %gt3A_84 = arith.cmpi sgt, %scan3A_63, %gt3A : i32
          %dma_wait3A_85 = arith.constant 0 : i32
          %dma_wait3A_86 = tpu.memref_slice %arg16[%dma_wait3A_85] : memref<204800xi32, #tpu.memory_space<vmem_shared>> -> memref<3200xi32, #tpu.memory_space<vmem_shared>>
          %dma_wait3A_87 = arith.constant 0 : i32
          %dma_wait3A_88 = tpu.memref_slice %arg16[%dma_wait3A_87] : memref<204800xi32, #tpu.memory_space<vmem_shared>> -> memref<3200xi32, #tpu.memory_space<vmem_shared>>
          tpu.wait_dma2 semaphore(%arg17 : memref<!tpu.dma_semaphore, #tpu.memory_space<semaphore_mem>>) src(%dma_wait3A_88 : memref<3200xi32, #tpu.memory_space<vmem_shared>>) dst(%arg10 : memref<3200xi32, #tpu.memory_space<vmem>>)
          %convert_element_type3A_89 = arith.extui %gt3A_84 : i1 to i32
          %cond3A_90 = arith.constant 0 : i32
          %cond3A_91 = arith.cmpi ne, %convert_element_type3A_89, %cond3A_90 : i32
          scf.if %cond3A_91 {
            %dma_wait3A_147 = arith.constant 0 : i32
            %dma_wait3A_148 = arith.constant 0 : i32
            %dma_wait3A_149 = tpu.memref_slice %arg8[%dma_wait3A_147, %dma_wait3A_148] : memref<310x204800xf32, #tpu.memory_space<hbm>> -> memref<1x3200xf32, #tpu.memory_space<hbm>>
            %dma_wait3A_150 = tpu.memref_squeeze %dma_wait3A_149 : memref<1x3200xf32, #tpu.memory_space<hbm>> -> memref<3200xf32, #tpu.memory_space<hbm>>
            %dma_wait3A_151 = arith.constant 0 : i32
            %dma_wait3A_152 = tpu.memref_slice %arg8[%dma_wait3A_147, %dma_wait3A_151] : memref<310x204800xf32, #tpu.memory_space<hbm>> -> memref<1x3200xf32, #tpu.memory_space<hbm>>
            %dma_wait3A_153 = tpu.memref_squeeze %dma_wait3A_152 : memref<1x3200xf32, #tpu.memory_space<hbm>> -> memref<3200xf32, #tpu.memory_space<hbm>>
            tpu.wait_dma2 semaphore(%arg19 : memref<!tpu.dma_semaphore, #tpu.memory_space<semaphore_mem>>) src(%arg12 : memref<3200xf32, #tpu.memory_space<vmem>>) dst(%dma_wait3A_153 : memref<3200xf32, #tpu.memory_space<hbm>>)
          } else {
          }
          %convert_element_type3A_92 = arith.extui %lt3A_16 : i1 to i32
          %cond3A_93 = arith.constant 0 : i32
          %cond3A_94 = arith.cmpi ne, %convert_element_type3A_92, %cond3A_93 : i32
          scf.if %cond3A_94 {
            %parallel_loop3A = arith.constant 0 : i32
            %parallel_loop3A_147 = arith.constant 200 : i32
            %parallel_loop3A_148 = arith.constant 1 : i32
            scf.for %parallel_loop3A_149 = %parallel_loop3A to %parallel_loop3A_147 step %parallel_loop3A_148  : i32 {
              %parallel_loop3A_150 = arith.constant 16 : i32
              %parallel_loop3A_151 = arith.muli %parallel_loop3A_149, %parallel_loop3A_150 : i32
              %parallel_loop3A_152 = arith.index_cast %parallel_loop3A_151 : i32 to index
              %parallel_loop3A_153 = tpu.vector_load %arg10[%parallel_loop3A_152] {strides = array<i32>} : memref<3200xi32, #tpu.memory_space<vmem>>, vector<16xi32>,
              %parallel_loop3A_154 = arith.constant 7 : i32
              %parallel_loop3A_155 = vector.broadcast %parallel_loop3A_154 : i32 to vector<16xi32>
              %parallel_loop3A_156 = arith.shrui %parallel_loop3A_153, %parallel_loop3A_155 : vector<16xi32>
              %parallel_loop3A_157 = arith.constant 127 : i32
              %parallel_loop3A_158 = vector.broadcast %parallel_loop3A_157 : i32 to vector<16xi32>
              %parallel_loop3A_159 = arith.andi %parallel_loop3A_153, %parallel_loop3A_158 : vector<16xi32>
              %parallel_loop3A_160 = tpu.vector_load_idx %arg9[%parallel_loop3A_156, %parallel_loop3A_159] : memref<782x128xf32, #tpu.memory_space<vmem>>[vector<16xi32>, vector<16xi32>], vector<16xf32>,
              %parallel_loop3A_161 = arith.index_cast %parallel_loop3A_151 : i32 to index
              %parallel_loop3A_162 = tpu.vector_load %arg12[%parallel_loop3A_161] {strides = array<i32>} : memref<3200xf32, #tpu.memory_space<vmem>>, vector<16xf32>,
              tpu.vector_store %arg12[%parallel_loop3A_161], %parallel_loop3A_160 {strides = array<i32>} : memref<3200xf32, #tpu.memory_space<vmem>>, vector<16xf32>,
            } {sc.loop_unroll_factor = 8 : i64, sc.parallel_access}
          } else {
          }
          %convert_element_type3A_95 = arith.extui %and3A : i1 to i32
          %cond3A_96 = arith.constant 0 : i32
          %cond3A_97 = arith.cmpi ne, %convert_element_type3A_95, %cond3A_96 : i32
          scf.if %cond3A_97 {
            %parallel_loop3A = arith.constant 0 : i32
            %parallel_loop3A_147 = arith.constant 200 : i32
            %parallel_loop3A_148 = arith.constant 1 : i32
            scf.for %parallel_loop3A_149 = %parallel_loop3A to %parallel_loop3A_147 step %parallel_loop3A_148  : i32 {
              %parallel_loop3A_150 = arith.constant 16 : i32
              %parallel_loop3A_151 = arith.muli %parallel_loop3A_149, %parallel_loop3A_150 : i32
              %parallel_loop3A_152 = arith.index_cast %parallel_loop3A_151 : i32 to index
              %parallel_loop3A_153 = tpu.vector_load %arg10[%parallel_loop3A_152] {strides = array<i32>} : memref<3200xi32, #tpu.memory_space<vmem>>, vector<16xi32>,
              %parallel_loop3A_154 = arith.constant 5 : i32
              %parallel_loop3A_155 = vector.broadcast %parallel_loop3A_154 : i32 to vector<16xi32>
              %parallel_loop3A_156 = arith.muli %parallel_loop3A_153, %parallel_loop3A_155 : vector<16xi32>
              %parallel_loop3A_157 = vector.broadcast %sub3A_23 : i32 to vector<16xi32>
              %parallel_loop3A_158 = arith.addi %parallel_loop3A_156, %parallel_loop3A_157 : vector<16xi32>
              %parallel_loop3A_159 = tpu.vector_load_idx %arg14[%parallel_loop3A_158] : memref<2000xf32, #tpu.memory_space<vmem>>[vector<16xi32>], vector<16xf32>,
              %parallel_loop3A_160 = arith.index_cast %parallel_loop3A_151 : i32 to index
              %parallel_loop3A_161 = tpu.vector_load %arg12[%parallel_loop3A_160] {strides = array<i32>} : memref<3200xf32, #tpu.memory_space<vmem>>, vector<16xf32>,
              tpu.vector_store %arg12[%parallel_loop3A_160], %parallel_loop3A_159 {strides = array<i32>} : memref<3200xf32, #tpu.memory_space<vmem>>, vector<16xf32>,
            } {sc.loop_unroll_factor = 8 : i64, sc.parallel_access}
          } else {
          }
          %not3A_98 = arith.constant true
          %not3A_99 = arith.xori %lt3A_16, %not3A_98 : i1
          %not3A_100 = arith.constant true
          %not3A_101 = arith.xori %and3A, %not3A_100 : i1
          %and3A_102 = arith.andi %not3A_99, %not3A_101 : i1
          %convert_element_type3A_103 = arith.extui %and3A_102 : i1 to i32
          %cond3A_104 = arith.constant 0 : i32
          %cond3A_105 = arith.cmpi ne, %convert_element_type3A_103, %cond3A_104 : i32
          scf.if %cond3A_105 {
            %parallel_loop3A = arith.constant 0 : i32
            %parallel_loop3A_147 = arith.constant 200 : i32
            %parallel_loop3A_148 = arith.constant 1 : i32
            scf.for %parallel_loop3A_149 = %parallel_loop3A to %parallel_loop3A_147 step %parallel_loop3A_148  : i32 {
              %parallel_loop3A_150 = arith.constant 16 : i32
              %parallel_loop3A_151 = arith.muli %parallel_loop3A_149, %parallel_loop3A_150 : i32
              %parallel_loop3A_152 = arith.index_cast %parallel_loop3A_151 : i32 to index
              %parallel_loop3A_153 = tpu.vector_load %arg10[%parallel_loop3A_152] {strides = array<i32>} : memref<3200xi32, #tpu.memory_space<vmem>>, vector<16xi32>,
              %parallel_loop3A_154 = arith.constant 5 : i32
              %parallel_loop3A_155 = vector.broadcast %parallel_loop3A_154 : i32 to vector<16xi32>
              %parallel_loop3A_156 = arith.muli %parallel_loop3A_153, %parallel_loop3A_155 : vector<16xi32>
              %parallel_loop3A_157 = vector.broadcast %sub3A_27 : i32 to vector<16xi32>
              %parallel_loop3A_158 = arith.addi %parallel_loop3A_156, %parallel_loop3A_157 : vector<16xi32>
              %parallel_loop3A_159 = tpu.vector_load_idx %arg15[%parallel_loop3A_158] : memref<2000xf32, #tpu.memory_space<vmem>>[vector<16xi32>], vector<16xf32>,
              %parallel_loop3A_160 = arith.index_cast %parallel_loop3A_151 : i32 to index
              %parallel_loop3A_161 = tpu.vector_load %arg12[%parallel_loop3A_160] {strides = array<i32>} : memref<3200xf32, #tpu.memory_space<vmem>>, vector<16xf32>,
              tpu.vector_store %arg12[%parallel_loop3A_160], %parallel_loop3A_159 {strides = array<i32>} : memref<3200xf32, #tpu.memory_space<vmem>>, vector<16xf32>,
            } {sc.loop_unroll_factor = 8 : i64, sc.parallel_access}
          } else {
          }
          %mul3A_106 = arith.constant 3200 : i32
          %mul3A_107 = arith.muli %mul3A_65, %mul3A_106 : i32
          %dma_start3A = tpu.memref_slice %arg8[%select_n3A, %mul3A_107] : memref<310x204800xf32, #tpu.memory_space<hbm>> -> memref<1x3200xf32, #tpu.memory_space<hbm>>
          %dma_start3A_108 = tpu.memref_squeeze %dma_start3A : memref<1x3200xf32, #tpu.memory_space<hbm>> -> memref<3200xf32, #tpu.memory_space<hbm>>
          %dma_start3A_109 = tpu.memref_slice %arg8[%select_n3A, %mul3A_107] : memref<310x204800xf32, #tpu.memory_space<hbm>> -> memref<1x3200xf32, #tpu.memory_space<hbm>>
          %dma_start3A_110 = tpu.memref_squeeze %dma_start3A_109 : memref<1x3200xf32, #tpu.memory_space<hbm>> -> memref<3200xf32, #tpu.memory_space<hbm>>
          tpu.enqueue_dma source(%arg12 : memref<3200xf32, #tpu.memory_space<vmem>>) target(%dma_start3A_110 : memref<3200xf32, #tpu.memory_space<hbm>>) target_semaphore(%arg19 : memref<!tpu.dma_semaphore, #tpu.memory_space<semaphore_mem>>)
          %lt3A_111 = arith.constant 31 : i32
          %lt3A_112 = arith.cmpi slt, %scan3A_63, %lt3A_111 : i32
          %convert_element_type3A_113 = arith.extui %lt3A_112 : i1 to i32
          %cond3A_114 = arith.constant 0 : i32
          %cond3A_115 = arith.cmpi ne, %convert_element_type3A_113, %cond3A_114 : i32
          scf.if %cond3A_115 {
            %add3A_147 = arith.constant 2 : i32
            %add3A_148 = arith.addi %mul3A_65, %add3A_147 : i32
            %mul3A_149 = arith.constant 3200 : i32
            %mul3A_150 = arith.muli %add3A_148, %mul3A_149 : i32
            %convert_element_type3A_151 = arith.extui %lt3A_16 : i1 to i32
            %cond3A_152 = arith.constant 0 : i32
            %cond3A_153 = arith.cmpi ne, %convert_element_type3A_151, %cond3A_152 : i32
            scf.if %cond3A_153 {
              %dma_start3A_165 = tpu.memref_slice %arg16[%mul3A_150] : memref<204800xi32, #tpu.memory_space<vmem_shared>> -> memref<3200xi32, #tpu.memory_space<vmem_shared>>
              %dma_start3A_166 = tpu.memref_slice %arg16[%mul3A_150] : memref<204800xi32, #tpu.memory_space<vmem_shared>> -> memref<3200xi32, #tpu.memory_space<vmem_shared>>
              tpu.enqueue_dma source(%dma_start3A_166 : memref<3200xi32, #tpu.memory_space<vmem_shared>>) target(%arg10 : memref<3200xi32, #tpu.memory_space<vmem>>) target_semaphore(%arg17 : memref<!tpu.dma_semaphore, #tpu.memory_space<semaphore_mem>>)
            } else {
            }
            %convert_element_type3A_154 = arith.extui %and3A : i1 to i32
            %cond3A_155 = arith.constant 0 : i32
            %cond3A_156 = arith.cmpi ne, %convert_element_type3A_154, %cond3A_155 : i32
            scf.if %cond3A_156 {
              %dma_start3A_165 = tpu.memref_slice %arg3[%mul3A_150] : memref<204800xi32, #tpu.memory_space<hbm>> -> memref<3200xi32, #tpu.memory_space<hbm>>
              %dma_start3A_166 = tpu.memref_slice %arg3[%mul3A_150] : memref<204800xi32, #tpu.memory_space<hbm>> -> memref<3200xi32, #tpu.memory_space<hbm>>
              tpu.enqueue_dma source(%dma_start3A_166 : memref<3200xi32, #tpu.memory_space<hbm>>) target(%arg10 : memref<3200xi32, #tpu.memory_space<vmem>>) target_semaphore(%arg17 : memref<!tpu.dma_semaphore, #tpu.memory_space<semaphore_mem>>)
            } else {
            }
            %not3A_157 = arith.constant true
            %not3A_158 = arith.xori %lt3A_16, %not3A_157 : i1
            %not3A_159 = arith.constant true
            %not3A_160 = arith.xori %and3A, %not3A_159 : i1
            %and3A_161 = arith.andi %not3A_158, %not3A_160 : i1
            %convert_element_type3A_162 = arith.extui %and3A_161 : i1 to i32
            %cond3A_163 = arith.constant 0 : i32
            %cond3A_164 = arith.cmpi ne, %convert_element_type3A_162, %cond3A_163 : i32
            scf.if %cond3A_164 {
              %dma_start3A_165 = tpu.memref_slice %arg4[%mul3A_150] : memref<204800xi32, #tpu.memory_space<hbm>> -> memref<3200xi32, #tpu.memory_space<hbm>>
              %dma_start3A_166 = tpu.memref_slice %arg4[%mul3A_150] : memref<204800xi32, #tpu.memory_space<hbm>> -> memref<3200xi32, #tpu.memory_space<hbm>>
              tpu.enqueue_dma source(%dma_start3A_166 : memref<3200xi32, #tpu.memory_space<hbm>>) target(%arg10 : memref<3200xi32, #tpu.memory_space<vmem>>) target_semaphore(%arg17 : memref<!tpu.dma_semaphore, #tpu.memory_space<semaphore_mem>>)
            } else {
            }
          } else {
          }
          %add3A_116 = arith.constant 1 : i32
          %add3A_117 = arith.addi %mul3A_65, %add3A_116 : i32
          %gt3A_118 = arith.constant 0 : i32
          %gt3A_119 = arith.cmpi sgt, %scan3A_63, %gt3A_118 : i32
          %dma_wait3A_120 = arith.constant 0 : i32
          %dma_wait3A_121 = tpu.memref_slice %arg16[%dma_wait3A_120] : memref<204800xi32, #tpu.memory_space<vmem_shared>> -> memref<3200xi32, #tpu.memory_space<vmem_shared>>
          %dma_wait3A_122 = arith.constant 0 : i32
          %dma_wait3A_123 = tpu.memref_slice %arg16[%dma_wait3A_122] : memref<204800xi32, #tpu.memory_space<vmem_shared>> -> memref<3200xi32, #tpu.memory_space<vmem_shared>>
          tpu.wait_dma2 semaphore(%arg18 : memref<!tpu.dma_semaphore, #tpu.memory_space<semaphore_mem>>) src(%dma_wait3A_123 : memref<3200xi32, #tpu.memory_space<vmem_shared>>) dst(%arg11 : memref<3200xi32, #tpu.memory_space<vmem>>)
          %convert_element_type3A_124 = arith.extui %gt3A_119 : i1 to i32
          %cond3A_125 = arith.constant 0 : i32
          %cond3A_126 = arith.cmpi ne, %convert_element_type3A_124, %cond3A_125 : i32
          scf.if %cond3A_126 {
            %dma_wait3A_147 = arith.constant 0 : i32
            %dma_wait3A_148 = arith.constant 0 : i32
            %dma_wait3A_149 = tpu.memref_slice %arg8[%dma_wait3A_147, %dma_wait3A_148] : memref<310x204800xf32, #tpu.memory_space<hbm>> -> memref<1x3200xf32, #tpu.memory_space<hbm>>
            %dma_wait3A_150 = tpu.memref_squeeze %dma_wait3A_149 : memref<1x3200xf32, #tpu.memory_space<hbm>> -> memref<3200xf32, #tpu.memory_space<hbm>>
            %dma_wait3A_151 = arith.constant 0 : i32
            %dma_wait3A_152 = tpu.memref_slice %arg8[%dma_wait3A_147, %dma_wait3A_151] : memref<310x204800xf32, #tpu.memory_space<hbm>> -> memref<1x3200xf32, #tpu.memory_space<hbm>>
            %dma_wait3A_153 = tpu.memref_squeeze %dma_wait3A_152 : memref<1x3200xf32, #tpu.memory_space<hbm>> -> memref<3200xf32, #tpu.memory_space<hbm>>
            tpu.wait_dma2 semaphore(%arg20 : memref<!tpu.dma_semaphore, #tpu.memory_space<semaphore_mem>>) src(%arg13 : memref<3200xf32, #tpu.memory_space<vmem>>) dst(%dma_wait3A_153 : memref<3200xf32, #tpu.memory_space<hbm>>)
          } else {
          }
          %convert_element_type3A_127 = arith.extui %lt3A_16 : i1 to i32
          %cond3A_128 = arith.constant 0 : i32
          %cond3A_129 = arith.cmpi ne, %convert_element_type3A_127, %cond3A_128 : i32
          scf.if %cond3A_129 {
            %parallel_loop3A = arith.constant 0 : i32
            %parallel_loop3A_147 = arith.constant 200 : i32
            %parallel_loop3A_148 = arith.constant 1 : i32
            scf.for %parallel_loop3A_149 = %parallel_loop3A to %parallel_loop3A_147 step %parallel_loop3A_148  : i32 {
              %parallel_loop3A_150 = arith.constant 16 : i32
              %parallel_loop3A_151 = arith.muli %parallel_loop3A_149, %parallel_loop3A_150 : i32
              %parallel_loop3A_152 = arith.index_cast %parallel_loop3A_151 : i32 to index
              %parallel_loop3A_153 = tpu.vector_load %arg11[%parallel_loop3A_152] {strides = array<i32>} : memref<3200xi32, #tpu.memory_space<vmem>>, vector<16xi32>,
              %parallel_loop3A_154 = arith.constant 7 : i32
              %parallel_loop3A_155 = vector.broadcast %parallel_loop3A_154 : i32 to vector<16xi32>
              %parallel_loop3A_156 = arith.shrui %parallel_loop3A_153, %parallel_loop3A_155 : vector<16xi32>
              %parallel_loop3A_157 = arith.constant 127 : i32
              %parallel_loop3A_158 = vector.broadcast %parallel_loop3A_157 : i32 to vector<16xi32>
              %parallel_loop3A_159 = arith.andi %parallel_loop3A_153, %parallel_loop3A_158 : vector<16xi32>
              %parallel_loop3A_160 = tpu.vector_load_idx %arg9[%parallel_loop3A_156, %parallel_loop3A_159] : memref<782x128xf32, #tpu.memory_space<vmem>>[vector<16xi32>, vector<16xi32>], vector<16xf32>,
              %parallel_loop3A_161 = arith.index_cast %parallel_loop3A_151 : i32 to index
              %parallel_loop3A_162 = tpu.vector_load %arg13[%parallel_loop3A_161] {strides = array<i32>} : memref<3200xf32, #tpu.memory_space<vmem>>, vector<16xf32>,
              tpu.vector_store %arg13[%parallel_loop3A_161], %parallel_loop3A_160 {strides = array<i32>} : memref<3200xf32, #tpu.memory_space<vmem>>, vector<16xf32>,
            } {sc.loop_unroll_factor = 8 : i64, sc.parallel_access}
          } else {
          }
          %convert_element_type3A_130 = arith.extui %and3A : i1 to i32
          %cond3A_131 = arith.constant 0 : i32
          %cond3A_132 = arith.cmpi ne, %convert_element_type3A_130, %cond3A_131 : i32
          scf.if %cond3A_132 {
            %parallel_loop3A = arith.constant 0 : i32
            %parallel_loop3A_147 = arith.constant 200 : i32
            %parallel_loop3A_148 = arith.constant 1 : i32
            scf.for %parallel_loop3A_149 = %parallel_loop3A to %parallel_loop3A_147 step %parallel_loop3A_148  : i32 {
              %parallel_loop3A_150 = arith.constant 16 : i32
              %parallel_loop3A_151 = arith.muli %parallel_loop3A_149, %parallel_loop3A_150 : i32
              %parallel_loop3A_152 = arith.index_cast %parallel_loop3A_151 : i32 to index
              %parallel_loop3A_153 = tpu.vector_load %arg11[%parallel_loop3A_152] {strides = array<i32>} : memref<3200xi32, #tpu.memory_space<vmem>>, vector<16xi32>,
              %parallel_loop3A_154 = arith.constant 5 : i32
              %parallel_loop3A_155 = vector.broadcast %parallel_loop3A_154 : i32 to vector<16xi32>
              %parallel_loop3A_156 = arith.muli %parallel_loop3A_153, %parallel_loop3A_155 : vector<16xi32>
              %parallel_loop3A_157 = vector.broadcast %sub3A_23 : i32 to vector<16xi32>
              %parallel_loop3A_158 = arith.addi %parallel_loop3A_156, %parallel_loop3A_157 : vector<16xi32>
              %parallel_loop3A_159 = tpu.vector_load_idx %arg14[%parallel_loop3A_158] : memref<2000xf32, #tpu.memory_space<vmem>>[vector<16xi32>], vector<16xf32>,
              %parallel_loop3A_160 = arith.index_cast %parallel_loop3A_151 : i32 to index
              %parallel_loop3A_161 = tpu.vector_load %arg13[%parallel_loop3A_160] {strides = array<i32>} : memref<3200xf32, #tpu.memory_space<vmem>>, vector<16xf32>,
              tpu.vector_store %arg13[%parallel_loop3A_160], %parallel_loop3A_159 {strides = array<i32>} : memref<3200xf32, #tpu.memory_space<vmem>>, vector<16xf32>,
            } {sc.loop_unroll_factor = 8 : i64, sc.parallel_access}
          } else {
          }
          %not3A_133 = arith.constant true
          %not3A_134 = arith.xori %lt3A_16, %not3A_133 : i1
          %not3A_135 = arith.constant true
          %not3A_136 = arith.xori %and3A, %not3A_135 : i1
          %and3A_137 = arith.andi %not3A_134, %not3A_136 : i1
          %convert_element_type3A_138 = arith.extui %and3A_137 : i1 to i32
          %cond3A_139 = arith.constant 0 : i32
          %cond3A_140 = arith.cmpi ne, %convert_element_type3A_138, %cond3A_139 : i32
          scf.if %cond3A_140 {
            %parallel_loop3A = arith.constant 0 : i32
            %parallel_loop3A_147 = arith.constant 200 : i32
            %parallel_loop3A_148 = arith.constant 1 : i32
            scf.for %parallel_loop3A_149 = %parallel_loop3A to %parallel_loop3A_147 step %parallel_loop3A_148  : i32 {
              %parallel_loop3A_150 = arith.constant 16 : i32
              %parallel_loop3A_151 = arith.muli %parallel_loop3A_149, %parallel_loop3A_150 : i32
              %parallel_loop3A_152 = arith.index_cast %parallel_loop3A_151 : i32 to index
              %parallel_loop3A_153 = tpu.vector_load %arg11[%parallel_loop3A_152] {strides = array<i32>} : memref<3200xi32, #tpu.memory_space<vmem>>, vector<16xi32>,
              %parallel_loop3A_154 = arith.constant 5 : i32
              %parallel_loop3A_155 = vector.broadcast %parallel_loop3A_154 : i32 to vector<16xi32>
              %parallel_loop3A_156 = arith.muli %parallel_loop3A_153, %parallel_loop3A_155 : vector<16xi32>
              %parallel_loop3A_157 = vector.broadcast %sub3A_27 : i32 to vector<16xi32>
              %parallel_loop3A_158 = arith.addi %parallel_loop3A_156, %parallel_loop3A_157 : vector<16xi32>
              %parallel_loop3A_159 = tpu.vector_load_idx %arg15[%parallel_loop3A_158] : memref<2000xf32, #tpu.memory_space<vmem>>[vector<16xi32>], vector<16xf32>,
              %parallel_loop3A_160 = arith.index_cast %parallel_loop3A_151 : i32 to index
              %parallel_loop3A_161 = tpu.vector_load %arg13[%parallel_loop3A_160] {strides = array<i32>} : memref<3200xf32, #tpu.memory_space<vmem>>, vector<16xf32>,
              tpu.vector_store %arg13[%parallel_loop3A_160], %parallel_loop3A_159 {strides = array<i32>} : memref<3200xf32, #tpu.memory_space<vmem>>, vector<16xf32>,
            } {sc.loop_unroll_factor = 8 : i64, sc.parallel_access}
          } else {
          }
          %mul3A_141 = arith.constant 3200 : i32
          %mul3A_142 = arith.muli %add3A_117, %mul3A_141 : i32
          %dma_start3A_143 = tpu.memref_slice %arg8[%select_n3A, %mul3A_142] : memref<310x204800xf32, #tpu.memory_space<hbm>> -> memref<1x3200xf32, #tpu.memory_space<hbm>>
          %dma_start3A_144 = tpu.memref_squeeze %dma_start3A_143 : memref<1x3200xf32, #tpu.memory_space<hbm>> -> memref<3200xf32, #tpu.memory_space<hbm>>
          %dma_start3A_145 = tpu.memref_slice %arg8[%select_n3A, %mul3A_142] : memref<310x204800xf32, #tpu.memory_space<hbm>> -> memref<1x3200xf32, #tpu.memory_space<hbm>>
          %dma_start3A_146 = tpu.memref_squeeze %dma_start3A_145 : memref<1x3200xf32, #tpu.memory_space<hbm>> -> memref<3200xf32, #tpu.memory_space<hbm>>
          tpu.enqueue_dma source(%arg13 : memref<3200xf32, #tpu.memory_space<vmem>>) target(%dma_start3A_146 : memref<3200xf32, #tpu.memory_space<hbm>>) target_semaphore(%arg20 : memref<!tpu.dma_semaphore, #tpu.memory_space<semaphore_mem>>)
        }
        %scan3A_49 = arith.constant 32 : i32
        %dma_wait3A = arith.constant 0 : i32
        %dma_wait3A_50 = arith.constant 0 : i32
        %dma_wait3A_51 = tpu.memref_slice %arg8[%dma_wait3A, %dma_wait3A_50] : memref<310x204800xf32, #tpu.memory_space<hbm>> -> memref<1x3200xf32, #tpu.memory_space<hbm>>
        %dma_wait3A_52 = tpu.memref_squeeze %dma_wait3A_51 : memref<1x3200xf32, #tpu.memory_space<hbm>> -> memref<3200xf32, #tpu.memory_space<hbm>>
        %dma_wait3A_53 = arith.constant 0 : i32
        %dma_wait3A_54 = tpu.memref_slice %arg8[%dma_wait3A, %dma_wait3A_53] : memref<310x204800xf32, #tpu.memory_space<hbm>> -> memref<1x3200xf32, #tpu.memory_space<hbm>>
        %dma_wait3A_55 = tpu.memref_squeeze %dma_wait3A_54 : memref<1x3200xf32, #tpu.memory_space<hbm>> -> memref<3200xf32, #tpu.memory_space<hbm>>
        tpu.wait_dma2 semaphore(%arg19 : memref<!tpu.dma_semaphore, #tpu.memory_space<semaphore_mem>>) src(%arg12 : memref<3200xf32, #tpu.memory_space<vmem>>) dst(%dma_wait3A_55 : memref<3200xf32, #tpu.memory_space<hbm>>)
        %dma_wait3A_56 = arith.constant 0 : i32
        %dma_wait3A_57 = arith.constant 0 : i32
        %dma_wait3A_58 = tpu.memref_slice %arg8[%dma_wait3A_56, %dma_wait3A_57] : memref<310x204800xf32, #tpu.memory_space<hbm>> -> memref<1x3200xf32, #tpu.memory_space<hbm>>
        %dma_wait3A_59 = tpu.memref_squeeze %dma_wait3A_58 : memref<1x3200xf32, #tpu.memory_space<hbm>> -> memref<3200xf32, #tpu.memory_space<hbm>>
        %dma_wait3A_60 = arith.constant 0 : i32
        %dma_wait3A_61 = tpu.memref_slice %arg8[%dma_wait3A_56, %dma_wait3A_60] : memref<310x204800xf32, #tpu.memory_space<hbm>> -> memref<1x3200xf32, #tpu.memory_space<hbm>>
        %dma_wait3A_62 = tpu.memref_squeeze %dma_wait3A_61 : memref<1x3200xf32, #tpu.memory_space<hbm>> -> memref<3200xf32, #tpu.memory_space<hbm>>
        tpu.wait_dma2 semaphore(%arg20 : memref<!tpu.dma_semaphore, #tpu.memory_space<semaphore_mem>>) src(%arg13 : memref<3200xf32, #tpu.memory_space<vmem>>) dst(%dma_wait3A_62 : memref<3200xf32, #tpu.memory_space<hbm>>)
      } else {
      }
    }
    %scan3A_7 = arith.constant 10 : i32
    return
  }
}

</mosaic_0001>

<sc_bundles>
// kernel: kernel.3.cloned.1.call-start
scs
__scs_entry_jumppad:
0x0: {  	(pc) =	sbr.rel $0x88, $3  }
0x1: {  	(tag) =	ssettag $0x0;
	lr =	simm.s32 $0x1  }
0x2: {  	[smem:$0x3F9B] =	sst lr;
	_ =	strace $0xD0000000  }
0x3: {  	_ = 	snop  }
0x4: {  	_ = 	snop  }
0x5: {  	_ = 	snop  }
0x6: {  	_ = 	snop  }
0x7: {  	_ = 	snop  }
__scs_overlays_trampoline_lowered:
0x8: {  	[smem:$0x3FAA] =	sst s0  }
0x9: {  	[smem:$0x3FAB] =	sst s1  }
0xa: {  	[smem:$0x3FAC] =	sst s2  }
0xb: {  	[smem:$0x3FAD] =	sst s3  }
0xc: {  	[smem:$0x3FAE] =	sst s4  }
0xd: {  	[smem:$0x3FAF] =	sst s5  }
0xe: {  	[smem:$0x3FB0] =	sst s6  }
0xf: {  	[smem:$0x3FB1] =	sst s7  }
0x10: {  	[smem:$0x3FB2] =	sst s8  }
0x11: {  	[smem:$0x3FB3] =	sst s9;
	s0 =	simm.s32 @!p0 $0x0  }
0x12: {  	s1 =	sld [smem:$0x3F99];
	s0 =	simm.s32 @p0 $0x1  }
0x13: {  	[smem:$0x3FB4] =	sst s0;
	s0 =	simm.s32 @!p1 $0x0  }
0x14: {  	s2 =	sld [smem:$0x3F98];
	s0 =	simm.s32 @p1 $0x1  }
0x15: {  	[smem:$0x3FB5] =	sst s0;
	s0 =	simm.s32 @!p2 $0x0  }
0x16: {  	s3 =	sld [smem:$0x3FDB];
	s0 =	simm.s32 @p2 $0x1  }
0x17: {  	s4 =	simm.s32 $0x1BF5;
	[smem:$0x3FB7] =	sst s0  }
0x18: {  	s0 =	sld [smem:$0x3F9A];
	_ =	swait.ge [sflag:s4], $0x0  }
0x19: {  	s7 =	sld [smem:$0x3F9B]  }
0x1a: {  	s8 =	sadd.s32 $0xFFFFE003, lr  }
0x1b: {  	s9 =	sadd.s32 $0xFFFFFEF7, lr;
	s5 =	simm.s32 $0xFFFFFFFF;
	p2 =	slt.u32 s8, $0xFFFFF086  }
0x1c: {  	p1 =	slt.u32 s9, $0xF7A;
	s5 =	simm.s32 @!p2 $0x0  }
0x1d: {  	s5 =	simm.s32 @p1 $0x1;
	p0 =	seq.s32 s7, s2  }
0x1e: {  	s7 =	smul.u32 @!p0 $0xF7A, s2;
	p2 =	seq.s32 @!p0 s5, $0x0  }
0x1f: {  	s9 =	smul.u32 $0xF7A, s1;
	s8 =	simm.s32 @!p0 $0x1BF5;
	p2 =	por !p2, p0  }
0x20: {  	[sflag:s8] =	ssyncset.s32 @!p0 $0xFFFFF086;
	s6 =	sadd.s32 @!p0 s3, s7;
	s7 =	simm.s32 @!p0 $0x108  }
0x21: {  	s3 =	sadd.s32 s3, s9;
	s6 =	sadd.s32 @!p0 $0x88, s6;
	s7 =	simm.s32 @p2 $0x1082  }
0x22: {  	[simem:s7], [sflag:s8] =	dma.local @!p0 [hbm:s6], $0xF7A  }
0x23: {  	s9 =	sor.u32 $0xD0000000, s2;
	s6 =	simm.s32 $0x108;
	_ =	swait.ge @!p0 [sflag:s8], $0x0  }
0x24: {  	s3 =	sadd.s32 $0x88, s3;
	s6 =	simm.s32 @!p1 $0x1082;
	[sflag:s4] =	ssyncset.s32 $0xFFFFF086  }
0x25: {  	[simem:s6], [sflag:s4] =	dma.local [hbm:s3], $0xF7A  }
0x26: {  	[smem:$0x3F9B] =	sst s1;
	(tag) =	ssettag s2;
	_ =	strace s9  }
0x27: {  	s1 =	sld [smem:$0x3FAB]  }
0x28: {  	s2 =	sld [smem:$0x3FAC]  }
0x29: {  	s4 =	sld [smem:$0x3FAE]  }
0x2a: {  	p0 =	seq.s32 s5, $0x0;
	s5 =	sld [smem:$0x3FAF]  }
0x2b: {  	s6 =	sld [smem:$0x3FB0]  }
0x2c: {  	s7 =	sld [smem:$0x3FB1]  }
0x2d: {  	s3 =	simm.s32 $0x108;
	s8 =	sld [smem:$0x3FB2]  }
0x2e: {  	s3 =	simm.s32 @!p0 $0x1082;
	s9 =	sld [smem:$0x3FB3]  }
0x2f: {  	lr =	sadd.s32 s0, s3;
	s0 =	sld [smem:$0x3FAA]  }
0x30: {  	s3 =	sld [smem:$0x3FAD]  }
0x31: {  	[smem:$0x3FB6] =	sst s10  }
0x32: {  	s10 =	sld [smem:$0x3FB4];
	_ =	sdelay $0x3  }
0x33: {  	p0 =	seq.s32 s10, $0x1;
	s10 =	sld [smem:$0x3FB6];
	_ =	sdelay $0x3  }
0x34: {  	[smem:$0x3FB6] =	sst s10  }
0x35: {  	s10 =	sld [smem:$0x3FB5];
	_ =	sdelay $0x3  }
0x36: {  	p1 =	seq.s32 s10, $0x1;
	s10 =	sld [smem:$0x3FB6];
	_ =	sdelay $0x3  }
0x37: {  	[smem:$0x3FB6] =	sst s10  }
0x38: {  	s10 =	sld [smem:$0x3FB7]  }
0x39: {  	_ = 	snop;
	(pc) =	sbr.ind lr, $3  }
0x3a: {  	_ = 	snop  }
0x3b: {  	_ = 	snop  }
0x3c: {  	p2 =	seq.s32 s10, $0x1;
	s10 =	sld [smem:$0x3FB6]  }
0x3d: {  	_ =	shalt  }
0x3e: {  	_ =	shalt  }
0x3f: {  	_ =	shalt  }
0x40: {  	_ =	shalt  }
0x41: {  	_ =	shalt  }
0x42: {  	_ =	shalt  }
0x43: {  	_ =	shalt  }
0x44: {  	_ =	shalt  }
0x45: {  	_ =	shalt  }
0x46: {  	_ =	shalt  }
0x47: {  	_ =	shalt  }
0x48: {  	_ =	shalt  }
0x49: {  	_ =	shalt  }
0x4a: {  	_ =	shalt  }
0x4b: {  	_ =	shalt  }
0x4c: {  	_ =	shalt  }
0x4d: {  	_ =	shalt  }
0x4e: {  	_ =	shalt  }
0x4f: {  	_ =	shalt  }
0x50: {  	_ =	shalt  }
0x51: {  	_ =	shalt  }
0x52: {  	_ =	shalt  }
0x53: {  	_ =	shalt  }
0x54: {  	_ =	shalt  }
0x55: {  	_ =	shalt  }
0x56: {  	_ =	shalt  }
0x57: {  	_ =	shalt  }
0x58: {  	_ =	shalt  }
0x59: {  	_ =	shalt  }
0x5a: {  	_ =	shalt  }
0x5b: {  	_ =	shalt  }
0x5c: {  	_ =	shalt  }
0x5d: {  	_ =	shalt  }
0x5e: {  	_ =	shalt  }
0x5f: {  	_ =	shalt  }
0x60: {  	_ =	shalt  }
0x61: {  	_ =	shalt  }
0x62: {  	_ =	shalt  }
0x63: {  	_ =	shalt  }
0x64: {  	_ =	shalt  }
0x65: {  	_ =	shalt  }
0x66: {  	_ =	shalt  }
0x67: {  	_ =	shalt  }
0x68: {  	_ =	shalt  }
0x69: {  	_ =	shalt  }
0x6a: {  	_ =	shalt  }
0x6b: {  	_ =	shalt  }
0x6c: {  	_ =	shalt  }
0x6d: {  	_ =	shalt  }
0x6e: {  	_ =	shalt  }
0x6f: {  	_ =	shalt  }
0x70: {  	_ =	shalt  }
0x71: {  	_ =	shalt  }
0x72: {  	_ =	shalt  }
0x73: {  	_ =	shalt  }
0x74: {  	_ =	shalt  }
0x75: {  	_ =	shalt  }
0x76: {  	_ =	shalt  }
0x77: {  	_ =	shalt  }
0x78: {  	_ =	shalt  }
0x79: {  	_ =	shalt  }
0x7a: {  	_ =	shalt  }
0x7b: {  	_ =	shalt  }
0x7c: {  	_ =	shalt  }
0x7d: {  	_ =	shalt  }
0x7e: {  	_ =	shalt  }
0x7f: {  	_ =	shalt  }
0x80: {  	_ =	shalt  }
0x81: {  	_ =	shalt  }
0x82: {  	_ =	shalt  }
0x83: {  	_ =	shalt  }
0x84: {  	_ =	shalt  }
0x85: {  	_ =	shalt  }
0x86: {  	_ =	shalt  }
0x87: {  	_ =	shalt  }
.Lfunc_end0:
.L_simem_size_0:
called_computation_lowered:
.L_overlay_start_0:
0x88: {  	s2 =	sld [smem:$0x3FD9]  }
0x89: {  	s3 =	sld [smem:$0x3FFE];
	_ =	sdelay $0x1  }
0x8a: {  	s1 =	srdreg.scid  }
0x8b: {  	s0 =	sand.u32 $0x1, s1  }
0x8c: {  	s17 =	sshll.u32 s0, $0xA;
	s2 =	sadd.s32 s3, s2  }
0x8d: {  	s2 =	sadd.s32 s2, s17  }
0x8e: {  	[smem:$0x3FC2] =	sst s2  }
0x8f: {  	_ = 	snop  }
0x90: {  	s2 =	sld [smem:$0x3FC9]  }
0x91: {  	s18 =	sld [smem:$0x3FC8]  }
0x92: {  	s4 =	sld [smem:$0x3FC7]  }
0x93: {  	s5 =	sld [smem:$0x3FD0];
	(tm) =	ssettm $0x1  }
0x94: {  	s6 =	sld [smem:$0x3FFB];
	_ =	sdelay $0x3  }
0x95: {  	_ =	strace s6  }
0x96: {  	s6 =	sld [smem:$0x3FFC];
	_ =	sdelay $0x3  }
0x97: {  	_ =	strace s6  }
0x98: {  	s6 =	sld [smem:$0x3FFD];
	_ =	sdelay $0x3  }
0x99: {  	_ =	strace s6  }
0x9a: {  	_ =	strace $0x8FFFFFFF  }
0x9b: {  	s19 =	sld [smem:$0x3FDB];
	_ =	sdelay $0x1  }
0x9c: {  	s7 =	simm.s32 $_scs_section_size  }
0x9d: {  	s8 =	simm.s32 $_size__tile_overlayer_lowered;
	s9 =	simm.s32 $_tile_overlayer_lowered  }
0x9e: {  	s22 =	simm.s32 $0x1BFF;
	s21 =	sshll.u32 s9, $0x1;
	s6 =	sadd.s32 s7, s19  }
0x9f: {  	s10 =	simm.s32 $0x0;
	s20 =	sshll.u32 s8, $0x1;
	s8 =	sadd.s32 s21, s6  }
0xa0: {  	[timem:s10], [sflag:s22] =	dma.local [hbm:s8], s20  }
0xa1: {  	_ =	swait.ge [sflag:s22], s20  }
0xa2: {  	s7 =	ssub.s32 $0x0, s20;
	[sflag:s22] =	ssyncset.done $0x0  }
0xa3: {  	[sflag:s22] =	ssyncadd.s32 s7;
	_ =	sdelay $0x1  }
0xa4: {  	s23 =	simm.s32 $0x1B8B  }
0xa5: {  	_ =	swait.ge [sflag:s23], $0x1  }
0xa6: {  	[sflag:s23] =	ssyncset.done $0x0  }
0xa7: {  	s25 =	simm.s32 $0x1B8E;
	s24 =	sld [smem:$0x3FFE];
	[sflag:s23] =	ssyncadd.s32 $0xFFFFFFFF  }
0xa8: {  	s26 =	simm.s32 $execute0_lowered;
	[smem:$0x3FD2] =	sst s25  }
0xa9: {  	s8 =	sshll.u32 s26, $0x1;
	_ =	strace $0x80000046;
	[dreg:$0x1] =	wrdreg $0xFFFFFFFF  }
0xaa: {  	s28 =	simm.s32 $_size_execute0_lowered;
	s6 =	sadd.s32 s6, s8;
	[dreg:$0x0] =	wrdreg $0x0  }
0xab: {  	s8 =	sshll.u32 s28, $0x1;
	[dreg:$0x2] =	wrdreg s6  }
0xac: {  	[dreg:$0x3] =	wrdreg s8  }
0xad: {  	[dreg:$0x4] =	wrdreg $0xC0  }
0xae: {  	_ =	task [dreg:s10], $0x5FFFF  }
0xaf: {  	[dreg:$0x1] =	wrdreg $0xFFFFFFFF  }
0xb0: {  	[dreg:$0x0] =	wrdreg $0x60  }
0xb1: {  	[dreg:$0x2] =	wrdreg s2  }
0xb2: {  	[dreg:$0x3] =	wrdreg s18  }
0xb3: {  	[dreg:$0x4] =	wrdreg s4  }
0xb4: {  	[dreg:$0x5] =	wrdreg s24  }
0xb5: {  	[dreg:$0x6] =	wrdreg s5  }
0xb6: {  	[dreg:$0x7] =	wrdreg $0x1C8A00  }
0xb7: {  	[dreg:$0x8] =	wrdreg $0x9  }
0xb8: {  	_ =	task.clear_ibuf [dreg:s10], $0x9FFFF;
	_ =	strace $0x90000046  }
0xb9: {  	s29 =	simm.s32 $0x9;
	_ =	strace $0x80000048  }
0xba: {  	_ =	swait.ge [sflag:s29], $0x1  }
0xbb: {  	[sflag:s29] =	ssyncadd.s32 $0xFFFFFFFF  }
0xbc: {  	_ =	strace $0x90000048  }
0xbd: {  	_ =	sfence  }
0xbe: {  	s30 =	sld [smem:$0x0];
	_ =	sdelay $0x2  }
0xbf: {  	s31 =	sshll.u32 s1, $0xD;
	s1 =	sshrl.u32 s1, $0x2  }
0xc0: {  	s3 =	sand.u32 $0x4000, s31;
	s1 =	sadd.s32 s1, s30  }
0xc1: {  	s0 =	sor.u32 s3, s0;
	s1 =	sshll.u32 s1, $0x11  }
0xc2: {  	s0 =	sor.u32 s1, s0  }
0xc3: {  	s0 =	sadd.s32 $0x8F2B, s0  }
0xc4: {  	[sflag:s0] =	ssyncadd.remote.s32 $0x1  }
0xc5: {  	_ =	sfence.sel $0xFFFF  }
0xc6: {  	[dreg:$0x0] =	wrdreg $0xFFFFFFFF;
	(pc) =	sbr.abs _section_cstart, $3  }
0xc7: {  	[dreg:$0x1] =	wrdreg $0xFFFFFFFF  }
0xc8: {  	_ =	task.clear_ibuf [dreg:s10], $0x2FFFF;
	_ =	strace $0x9FFFFFFF  }
0xc9: {  	(tm) =	ssettm $0x7FFFFFFF  }
tec
execute0_lowered:
.L_overlay_start_1:
0x0: {  	(tag) =	ssettag $0x1  }
0x1: {  	s0 =	rddreg [dreg:$0x0]  }
0x2: {  	s1 =	rddreg [dreg:$0x1]  }
0x3: {  	s2 =	rddreg [dreg:$0x2]  }
0x4: {  	s6 =	rddreg [dreg:$0x3]  }
0x5: {  	s3 =	rddreg [dreg:$0x4]  }
0x6: {  	s4 =	rddreg [dreg:$0x5]  }
0x7: {  	s5 =	simm.s32 $0x0;
	s8 =	srdreg.scid;
	s17 =	stileid.u32  }
0x8: {  	s14 =	simm.s32 $0x1B900;
	s15 =	simm.s32 $0x5;
	s16 =	simm.s32 $0x1C0D0  }
0x9: {  	s19 =	simm.s32 $0x1;
	s20 =	simm.s32 $0x1A000;
	s21 =	simm.s32 $0x2  }
0xa: {  	s22 =	simm.s32 $0x4;
	s23 =	simm.s32 $0x1AC80;
	s24 =	simm.s32 $0x3  }
0xb: {  	s25 =	simm.s32 $0x0;
	[smem:$0x7FF] =	sst s5;
	s7 =	sadd.s32 $0x800, s6  }
0xc: {  	s8 =	sand.u32 $0x1, s8;
	s9 =	sadd.s32 $0x400, s6;
	s11 =	smul.u32 $0x3200, s17  }
0xd: {  	s12 =	sshll.u32 s17, $0x1;
	s31 =	sshll.u32 s17, $0x6;
	_ =	strace $0x80000047  }
.Ltmp0:
0xe: {  	[dreg:$0x7] =	wrdreg s9;
	s10 =	ssub.s32 $0x2, s8;
	(pc) =	sbr.rel .LBB2_1-.Ltmp0, $4  }
0xf: {  	s9 =	sadd.s32 $0x600, s6;
	s17 =	sor.u32 $0x1C05, s31;
	s28 =	sshrl.u32 s10, $0x1  }
0x10: {  	s29 =	sshrl.u32 s11, $0x3;
	s6 =	ssub.s32 s10, s28;
	s10 =	sor.u32 s8, s12  }
0x11: {  	s18 =	sadd.s32 s11, s4;
	s11 =	sadd.s32 s0, s29;
	s30 =	sshll.u32 s10, $0x7  }
0x12: {  	s18 =	sshrl.u32 s18, $0x3;
	s13 =	smax.u32 s6, $0x1;
	s12 =	sand.u32 $0x380, s30  }
.LBB2_35:
0x13: {  	s25 =	sadd.s32 $0x1, s25  }
0x14: {  	p0 =	sne.s32 s25, s13  }
.Ltmp1:
0x15: {  	_ = 	snop;
	(pc) =	sbr.rel @!p0 .LBB2_36-.Ltmp1, $1  }
0x16: {  	_ =	sdelay $0x3  }
.LBB2_1:
0x17: {  	s0 =	rddreg [dreg:$0x7]  }
0x18: {  	[tilespmem:s14], [sflag:$0x5] =	stream.linear.gather [hbm4b:s0+s5], $0x7D0, $0x38;
	[tilespmem:$0x1FAA0] =	vst v63  }
0x19: {  	_ =	swait.ge [sflag:s15], $0x7D0  }
0x1a: {  	[sflag:s15] =	ssyncset.done $0x0  }
0x1b: {  	[sflag:s15] =	ssyncadd.s32 $0xFFFFF830  }
0x1c: {  	[tilespmem:s16], [sflag:$0x5] =	stream.linear.gather [hbm4b:s9+s5], $0x7D0, $0x38;
	[tilespmem:$0x1FAA0] =	vst v63  }
0x1d: {  	_ =	swait.ge [sflag:s15], $0x7D0  }
0x1e: {  	[sflag:s15] =	ssyncset.done $0x0  }
0x1f: {  	[sflag:s15] =	ssyncadd.s32 $0xFFFFF830  }
0x20: {  	[spmem:s18], [sflag:s17] =	dma.local [hbm:s11], $0x640  }
.Ltmp2:
0x21: {  	_ =	swait.ge [sflag:s15], $0x640;
	(pc) =	sbr.rel .LBB2_2-.Ltmp2, $4  }
0x22: {  	[sflag:s15] =	ssyncset.done $0x0  }
0x23: {  	[sflag:s15] =	ssyncadd.s32 $0xFFFFF9C0  }
0x24: {  	[bflag:$0x0] =	sbarrier.arrive $0xFFFF  }
0x25: {  	s26 =	simm.s32 $0x0  }
.LBB2_33:
0x26: {  	_ =	swait.ge [sflag:s24], $0xC80  }
0x27: {  	[sflag:s24] =	ssyncset.done $0x0  }
0x28: {  	[sflag:s24] =	ssyncadd.s32 $0xFFFFF380  }
0x29: {  	_ =	swait.ge [sflag:s22], $0xC80  }
0x2a: {  	[sflag:s22] =	ssyncset.done $0x0  }
0x2b: {  	[sflag:s22] =	ssyncadd.s32 $0xFFFFF380  }
.LBB2_34:
0x2c: {  	s26 =	sadd.s32 $0x1, s26  }
0x2d: {  	p0 =	sne.s32 s26, $0xA  }
.Ltmp3:
0x2e: {  	_ = 	snop;
	(pc) =	sbr.rel @!p0 .LBB2_35-.Ltmp3, $1  }
0x2f: {  	_ =	sdelay $0x3  }
.LBB2_2:
0x30: {  	s0 =	sshll.u32 s26, $0x5  }
0x31: {  	s0 =	sor.u32 s10, s0  }
0x32: {  	p0 =	sgt.u32 s0, $0x135  }
.Ltmp4:
0x33: {  	_ = 	snop;
	(pc) =	sbr.rel @p0 .LBB2_34-.Ltmp4, $1  }
0x34: {  	_ =	sdelay $0x3  }
0x35: {  	p0 =	sgt.u32 s0, $0x12B  }
0x36: {  	s6 =	sadd.s32 @p0 $0xFFFFFECF, s0  }
0x37: {  	p1 =	slt.u32 @p0 s6, $0xFFFFFFFB  }
0x38: {  	p2 =	por !p1, !p0  }
0x39: {  	s8 =	simm.s32 @!p2 $0x0;
	s28 =	simm.s32 @!p2 $0x18700  }
0x3a: {  	[tilespmem:s28], [sflag:$0x1] =	stream.linear.gather @!p2 [hbm4b:s2+s8], $0xC80, $0x38;
	[tilespmem:$0x1FAA0] =	vst v63  }
0x3b: {  	p1 =	por p1, !p0;
	s8 =	sshrl.u32 @!p0 s0, $0x3  }
0x3c: {  	s29 =	simm.s32 @!p1 $0x18700;
	s28 =	simm.s32 @!p1 $0x0;
	s8 =	smul.u32 @!p0 $0xC3800, s8  }
0x3d: {  	[tilespmem:s29], [sflag:$0x1] =	stream.linear.gather @!p1 [hbm4b:s1+s28], $0xC80, $0x38;
	[tilespmem:$0x1FAA0] =	vst v63  }
0x3e: {  	s8 =	sor.u32 @!p0 s12, s8  }
0x3f: {  	s30 =	simm.s32 @!p0 $0x0;
	s8 =	sshrl.u32 @!p0 s8, $0x3  }
0x40: {  	s28 =	simm.s32 @!p0 $0x80;
	s29 =	simm.s32 @!p0 $0x400;
	s8 =	sadd.s32 @!p0 s7, s8  }
0x41: {  	[tilespmem:s30], [sflag:$0x5] =	stream.strided.gather @!p0 [hbm4b:s8+s28], $0x18700, s29, s28, $0x38;
	[tilespmem:$0x1FAA0] =	vst v63  }
0x42: {  	s8 =	simm.s32 @!p0 $0x5  }
0x43: {  	s31 =	sadd.s32 $0xFFFFFED4, s0;
	p4 =	por @!p0 $0x0, $0x0;
	_ =	swait.ge @!p0 [sflag:s8], $0x18700  }
0x44: {  	p3 =	por @!p2 $0x1, $0x1;
	p1 =	por @!p1 $0x0, $0x0;
	[sflag:s8] =	ssyncset.done @!p0 $0x0  }
.Ltmp5:
0x45: {  	[sflag:s8] =	ssyncadd.s32 @!p0 $0xFFFE7900;
	s8 =	simm.s32 @!p0 $0x18700;
	(pc) =	sbr.rel .LBB2_4-.Ltmp5, $4  }
0x46: {  	[tilespmem:s8], [sflag:$0x1] =	stream.linear.gather @!p0 [spmem:s4], $0xC80, $0x38;
	[tilespmem:$0x1FAA0] =	vst v63  }
0x47: {  	p1 =	por @!p2 p3, p3;
	p3 =	por @!p0 $0x1, $0x1;
	s8 =	sadd.s32 @!p0 $0xFFFFFECF, s0  }
0x48: {  	p2 =	por p1, p1;
	p1 =	por @!p0 p3, p3;
	s8 =	smov.u32 @p0 s6  }
0x49: {  	v0 =	vmov s31;
	p2 =	por @!p0 p4, p4;
	s28 =	smul.u32 $0x32000, s0;
	s29 =	simm.s32 $0x0;
	v1 =	vmov s8  }
.LBB2_31:
0x4a: {  	_ =	sdelay $0x2  }
0x4b: {  	[tilespmem:s0+$0x10] =	vst v6  }
0x4c: {  	[tilespmem:s0+$0x20] =	vst v7;
	s31 =	sadd.s32 $0x80, s0;
	v5 =	vld.idx.msk [tilespmem:v5+s16+$0x0], $0xffff  }
0x4d: {  	v2 =	vld.idx.msk [tilespmem:v2+s16+$0x0], $0xffff;
	[tilespmem:s31+$0x30] =	vst v8  }
0x4e: {  	v3 =	vld.idx.msk [tilespmem:v3+s16+$0x0], $0xffff;
	[tilespmem:s31+$0xFFFFFFD0] =	vst v9  }
0x4f: {  	v4 =	vld.idx.msk [tilespmem:v4+s16+$0x0], $0xffff;
	[tilespmem:s31+$0xFFFFFFE0] =	vst v10  }
0x50: {  	[tilespmem:s31+$0xFFFFFFF0] =	vst v11  }
0x51: {  	[tilespmem:s31+$0xFFFFFFC0] =	vst v5  }
0x52: {  	[tilespmem:s31+$0x0] =	vst v2  }
0x53: {  	[tilespmem:s31+$0x10] =	vst v3  }
0x54: {  	[tilespmem:s31+$0x20] =	vst v4  }
.LBB2_32:
0x55: {  	s29 =	sadd.s32 $0x1, s29  }
0x56: {  	p3 =	sne.s32 s29, $0x20  }
.Ltmp6:
0x57: {  	_ = 	snop;
	(pc) =	sbr.rel @!p3 .LBB2_33-.Ltmp6, $4  }
0x58: {  	s0 =	sadd.s32 s28, s30  }
0x59: {  	s0 =	sshrl.u32 s0, $0x3  }
0x5a: {  	s0 =	sadd.s32 s3, s0  }
0x5b: {  	[hbm4b:s0+s5] =	stream.linear.scatter [tilespmem:s23], [sflag:$0x4], $0xC80, $0x38;
	[tilespmem:$0x1FAA0] =	vst v63  }
.LBB2_4:
0x5c: {  	s31 =	smul.u32 $0x1900, s29;
	_ =	sdelay $0x1  }
0x5d: {  	s30 =	sadd.s32 $0xC80, s31  }
0x5e: {  	s6 =	simm.s32 @!p0 $0x19380;
	s0 =	sadd.s32 @!p0 s30, s4  }
0x5f: {  	[tilespmem:s6], [sflag:$0x2] =	stream.linear.gather @!p0 [spmem:s0], $0xC80, $0x38;
	[tilespmem:$0x1FAA0] =	vst v63  }
0x60: {  	s0 =	sshrl.u32 @!p1 s30, $0x3  }
0x61: {  	s8 =	simm.s32 @!p1 $0x19380;
	s6 =	simm.s32 @!p1 $0x0;
	s0 =	sadd.s32 @!p1 s1, s0  }
0x62: {  	[tilespmem:s8], [sflag:$0x2] =	stream.linear.gather @!p1 [hbm4b:s0+s6], $0xC80, $0x38;
	[tilespmem:$0x1FAA0] =	vst v63  }
0x63: {  	s0 =	sshrl.u32 @p2 s30, $0x3  }
0x64: {  	s6 =	simm.s32 @p2 $0x0;
	s8 =	simm.s32 @p2 $0x19380;
	s0 =	sadd.s32 @p2 s2, s0  }
0x65: {  	[tilespmem:s8], [sflag:$0x2] =	stream.linear.gather @p2 [hbm4b:s0+s6], $0xC80, $0x38;
	[tilespmem:$0x1FAA0] =	vst v63  }
0x66: {  	_ =	swait.ge [sflag:s19], $0xC80  }
.Ltmp7:
0x67: {  	p3 =	seq.s32 s29, $0x0;
	[sflag:s19] =	ssyncset.done $0x0;
	(pc) =	sbr.rel @p0 .LBB2_8-.Ltmp7, $4  }
0x68: {  	s0 =	simm.s32 @!p3 $0x3;
	[sflag:s19] =	ssyncadd.s32 $0xFFFFF380  }
0x69: {  	_ =	swait.ge @!p3 [sflag:s0], $0xC80  }
0x6a: {  	[sflag:s0] =	ssyncset.done @!p3 $0x0  }
0x6b: {  	[sflag:s0] =	ssyncadd.s32 @!p3 $0xFFFFF380  }
0x6c: {  	s0 =	simm.s32 $0x18740  }
0x6d: {  	v2 =	vld [tilespmem:s0+$0x30]  }
0x6e: {  	v3 =	vld [tilespmem:s0+$0xFFFFFFD0]  }
0x6f: {  	v4 =	vld [tilespmem:s0+$0xFFFFFFE0]  }
0x70: {  	v5 =	vld [tilespmem:s0+$0xFFFFFFF0]  }
0x71: {  	v6 =	vld [tilespmem:s0+$0x0]  }
0x72: {  	v8 =	vld [tilespmem:s0+$0x10]  }
0x73: {  	v9 =	vld [tilespmem:s0+$0x20]  }
0x74: {  	v10 =	vld [tilespmem:s0+$0xFFFFFFC0]  }
0x75: {  	v11 =	vld.idx.msk [tilespmem:v2+s5+$0x0], $0xffff  }
0x76: {  	v12 =	vld.idx.msk [tilespmem:v3+s5+$0x0], $0xffff  }
0x77: {  	v7 =	vld.idx.msk [tilespmem:v4+s5+$0x0], $0xffff  }
0x78: {  	v5 =	vld.idx.msk [tilespmem:v5+s5+$0x0], $0xffff  }
0x79: {  	v2 =	vld.idx.msk [tilespmem:v6+s5+$0x0], $0xffff  }
0x7a: {  	s0 =	simm.s32 $0x1A040;
	v3 =	vld.idx.msk [tilespmem:v8+s5+$0x0], $0xffff  }
0x7b: {  	v4 =	vld.idx.msk [tilespmem:v9+s5+$0x0], $0xffff;
	[tilespmem:s0+$0x30] =	vst v11  }
0x7c: {  	s6 =	simm.s32 $0x0;
	s8 =	simm.s32 $0x187C0;
	v6 =	vld.idx.msk [tilespmem:v10+s5+$0x0], $0xffff;
	[tilespmem:s0+$0xFFFFFFD0] =	vst v12  }
.LBB2_6:
0x7d: {  	v8 =	vld [tilespmem:s8+$0x30];
	s6 =	sadd.s32 $0x8, s6;
	[tilespmem:s0+$0xFFFFFFE0] =	vst v7  }
0x7e: {  	v7 =	vld [tilespmem:s8+$0xFFFFFFD0];
	p4 =	slt.u32 s6, $0xC0;
	[tilespmem:s0+$0xFFFFFFF0] =	vst v5  }
0x7f: {  	v5 =	vld [tilespmem:s8+$0xFFFFFFE0];
	[tilespmem:s0+$0x0] =	vst v2  }
0x80: {  	v2 =	vld [tilespmem:s8+$0xFFFFFFF0];
	[tilespmem:s0+$0x10] =	vst v3  }
0x81: {  	v3 =	vld [tilespmem:s8+$0x0];
	[tilespmem:s0+$0x20] =	vst v4  }
0x82: {  	v4 =	vld [tilespmem:s8+$0x10];
	[tilespmem:s0+$0xFFFFFFC0] =	vst v6  }
0x83: {  	v6 =	vld [tilespmem:s8+$0x20]  }
0x84: {  	v9 =	vld [tilespmem:s8+$0xFFFFFFC0]  }
0x85: {  	v8 =	vld.idx.msk [tilespmem:v8+s5+$0x0], $0xffff  }
0x86: {  	v10 =	vld.idx.msk [tilespmem:v7+s5+$0x0], $0xffff  }
0x87: {  	v7 =	vld.idx.msk [tilespmem:v5+s5+$0x0], $0xffff  }
.Ltmp8:
0x88: {  	v5 =	vld.idx.msk [tilespmem:v2+s5+$0x0], $0xffff;
	(pc) =	sbr.rel @p4 .LBB2_6-.Ltmp8, $4  }
0x89: {  	v2 =	vld.idx.msk [tilespmem:v3+s5+$0x0], $0xffff  }
0x8a: {  	s0 =	sadd.s32 $0x80, s0;
	v3 =	vld.idx.msk [tilespmem:v4+s5+$0x0], $0xffff  }
0x8b: {  	v4 =	vld.idx.msk [tilespmem:v6+s5+$0x0], $0xffff;
	[tilespmem:s0+$0x30] =	vst v8  }
0x8c: {  	s8 =	sadd.s32 $0x80, s8;
	v6 =	vld.idx.msk [tilespmem:v9+s5+$0x0], $0xffff;
	[tilespmem:s0+$0xFFFFFFD0] =	vst v10  }
0x8d: {  	[tilespmem:s0+$0xFFFFFFE0] =	vst v7  }
0x8e: {  	[tilespmem:s0+$0xFFFFFFF0] =	vst v5  }
0x8f: {  	[tilespmem:s0+$0x0] =	vst v2  }
0x90: {  	[tilespmem:s0+$0x10] =	vst v3  }
0x91: {  	[tilespmem:s0+$0x20] =	vst v4  }
0x92: {  	[tilespmem:s0+$0xFFFFFFC0] =	vst v6  }
.LBB2_8:
.Ltmp9:
0x93: {  	(pc) =	sbr.rel @p1 .LBB2_12-.Ltmp9, $1  }
0x94: {  	_ =	sdelay $0x3  }
0x95: {  	s0 =	simm.s32 $0x18740  }
0x96: {  	v2 =	vld [tilespmem:s0+$0x30]  }
0x97: {  	v3 =	vld [tilespmem:s0+$0xFFFFFFD0]  }
0x98: {  	v4 =	vld [tilespmem:s0+$0xFFFFFFE0]  }
0x99: {  	v5 =	vld [tilespmem:s0+$0xFFFFFFF0]  }
0x9a: {  	v6 =	vld [tilespmem:s0+$0x0]  }
0x9b: {  	v7 =	vld [tilespmem:s0+$0x10]  }
0x9c: {  	v8 =	vld [tilespmem:s0+$0x20]  }
0x9d: {  	s8 =	simm.s32 $0x187C0;
	v9 =	vld [tilespmem:s0+$0xFFFFFFC0]  }
0x9e: {  	v10 =	vld [tilespmem:s8+$0x30]  }
0x9f: {  	v11 =	vld [tilespmem:s8+$0xFFFFFFD0];
	v2 =	vmul.u32 $0x5, v2  }
0xa0: {  	v12 =	vld [tilespmem:s8+$0xFFFFFFE0];
	v3 =	vmul.u32 $0x5, v3  }
0xa1: {  	v13 =	vld [tilespmem:s8+$0xFFFFFFF0];
	v4 =	vmul.u32 $0x5, v4;
	v2 =	vadd.s32 v0, v2  }
0xa2: {  	v14 =	vld [tilespmem:s8+$0x0];
	v5 =	vmul.u32 $0x5, v5;
	v3 =	vadd.s32 v0, v3  }
0xa3: {  	v15 =	vld [tilespmem:s8+$0x10];
	v9 =	vmul.u32 $0x5, v9;
	v4 =	vadd.s32 v0, v4  }
0xa4: {  	v16 =	vld [tilespmem:s8+$0x20];
	v6 =	vmul.u32 $0x5, v6;
	v5 =	vadd.s32 v0, v5  }
0xa5: {  	v17 =	vld [tilespmem:s8+$0xFFFFFFC0];
	v7 =	vmul.u32 $0x5, v7;
	v9 =	vadd.s32 v0, v9  }
0xa6: {  	v8 =	vmul.u32 $0x5, v8;
	v6 =	vadd.s32 v0, v6;
	v2 =	vld.idx.msk [tilespmem:v2+s14+$0x0], $0xffff  }
0xa7: {  	v10 =	vmul.u32 $0x5, v10;
	v7 =	vadd.s32 v0, v7;
	v3 =	vld.idx.msk [tilespmem:v3+s14+$0x0], $0xffff  }
0xa8: {  	v11 =	vmul.u32 $0x5, v11;
	v8 =	vadd.s32 v0, v8;
	v4 =	vld.idx.msk [tilespmem:v4+s14+$0x0], $0xffff  }
0xa9: {  	v12 =	vmul.u32 $0x5, v12;
	v10 =	vadd.s32 v0, v10;
	v5 =	vld.idx.msk [tilespmem:v5+s14+$0x0], $0xffff  }
0xaa: {  	v13 =	vmul.u32 $0x5, v13;
	v11 =	vadd.s32 v0, v11;
	v18 =	vld.idx.msk [tilespmem:v9+s14+$0x0], $0xffff  }
0xab: {  	v12 =	vadd.s32 v0, v12;
	v19 =	vld.idx.msk [tilespmem:v6+s14+$0x0], $0xffff  }
0xac: {  	s0 =	simm.s32 $0x1A040;
	v13 =	vadd.s32 v0, v13;
	v6 =	vld.idx.msk [tilespmem:v7+s14+$0x0], $0xffff  }
0xad: {  	v7 =	vld.idx.msk [tilespmem:v8+s14+$0x0], $0xffff;
	[tilespmem:s0+$0x30] =	vst v2  }
0xae: {  	v8 =	vld.idx.msk [tilespmem:v10+s14+$0x0], $0xffff;
	[tilespmem:s0+$0xFFFFFFD0] =	vst v3  }
0xaf: {  	v9 =	vld.idx.msk [tilespmem:v11+s14+$0x0], $0xffff;
	[tilespmem:s0+$0xFFFFFFE0] =	vst v4;
	v2 =	vmul.u32 $0x5, v14  }
0xb0: {  	v10 =	vld.idx.msk [tilespmem:v12+s14+$0x0], $0xffff;
	v3 =	vmul.u32 $0x5, v15;
	[tilespmem:s0+$0xFFFFFFF0] =	vst v5;
	v4 =	vmul.u32 $0x5, v16;
	v5 =	vmul.u32 $0x5, v17  }
0xb1: {  	v11 =	vld.idx.msk [tilespmem:v13+s14+$0x0], $0xffff;
	[tilespmem:s0+$0xFFFFFFC0] =	vst v18;
	v2 =	vadd.s32 v0, v2  }
0xb2: {  	s6 =	simm.s32 $0x8;
	s8 =	simm.s32 $0x18840;
	[tilespmem:s0+$0x0] =	vst v19;
	v3 =	vadd.s32 v0, v3;
	v4 =	vadd.s32 v0, v4;
	v5 =	vadd.s32 v0, v5  }
.LBB2_10:
0xb3: {  	v12 =	vld [tilespmem:s8+$0x30];
	s6 =	sadd.s32 $0x8, s6;
	[tilespmem:s0+$0x10] =	vst v6  }
0xb4: {  	v6 =	vld [tilespmem:s8+$0xFFFFFFD0];
	p4 =	slt.u32 s6, $0xC0;
	[tilespmem:s0+$0x20] =	vst v7;
	s0 =	sadd.s32 $0x80, s0  }
0xb5: {  	v7 =	vld [tilespmem:s8+$0xFFFFFFE0];
	[tilespmem:s0+$0x30] =	vst v8  }
0xb6: {  	v8 =	vld [tilespmem:s8+$0xFFFFFFF0];
	[tilespmem:s0+$0xFFFFFFD0] =	vst v9  }
0xb7: {  	v9 =	vld [tilespmem:s8+$0x0];
	[tilespmem:s0+$0xFFFFFFE0] =	vst v10  }
0xb8: {  	v10 =	vld [tilespmem:s8+$0x10];
	v12 =	vmul.u32 $0x5, v12;
	[tilespmem:s0+$0xFFFFFFF0] =	vst v11  }
0xb9: {  	v6 =	vmul.u32 $0x5, v6;
	v11 =	vld [tilespmem:s8+$0x20]  }
0xba: {  	v13 =	vld [tilespmem:s8+$0xFFFFFFC0];
	v7 =	vmul.u32 $0x5, v7;
	v12 =	vadd.s32 v0, v12  }
0xbb: {  	v14 =	vadd.s32 v0, v6;
	v6 =	vmul.u32 $0x5, v8;
	v15 =	vld.idx.msk [tilespmem:v5+s14+$0x0], $0xffff  }
0xbc: {  	v16 =	vadd.s32 v0, v7;
	v5 =	vmul.u32 $0x5, v9;
	v17 =	vld.idx.msk [tilespmem:v2+s14+$0x0], $0xffff  }
0xbd: {  	v18 =	vadd.s32 v0, v6;
	v8 =	vmul.u32 $0x5, v10;
	v6 =	vld.idx.msk [tilespmem:v3+s14+$0x0], $0xffff  }
.Ltmp10:
0xbe: {  	v2 =	vadd.s32 v0, v5;
	v5 =	vmul.u32 $0x5, v11;
	v7 =	vld.idx.msk [tilespmem:v4+s14+$0x0], $0xffff;
	(pc) =	sbr.rel @p4 .LBB2_10-.Ltmp10, $4  }
0xbf: {  	v10 =	vmul.u32 $0x5, v13;
	v3 =	vadd.s32 v0, v8;
	v8 =	vld.idx.msk [tilespmem:v12+s14+$0x0], $0xffff  }
0xc0: {  	v9 =	vld.idx.msk [tilespmem:v14+s14+$0x0], $0xffff;
	v4 =	vadd.s32 v0, v5  }
0xc1: {  	v5 =	vadd.s32 v0, v10;
	v10 =	vld.idx.msk [tilespmem:v16+s14+$0x0], $0xffff;
	[tilespmem:s0+$0xFFFFFFC0] =	vst v15  }
0xc2: {  	s8 =	sadd.s32 $0x80, s8;
	v11 =	vld.idx.msk [tilespmem:v18+s14+$0x0], $0xffff;
	[tilespmem:s0+$0x0] =	vst v17  }
0xc3: {  	_ =	sdelay $0x2  }
0xc4: {  	[tilespmem:s0+$0x10] =	vst v6  }
0xc5: {  	[tilespmem:s0+$0x20] =	vst v7;
	s8 =	sadd.s32 $0x80, s0;
	v5 =	vld.idx.msk [tilespmem:v5+s14+$0x0], $0xffff  }
0xc6: {  	v2 =	vld.idx.msk [tilespmem:v2+s14+$0x0], $0xffff;
	[tilespmem:s8+$0x30] =	vst v8  }
0xc7: {  	v3 =	vld.idx.msk [tilespmem:v3+s14+$0x0], $0xffff;
	[tilespmem:s8+$0xFFFFFFD0] =	vst v9  }
0xc8: {  	v4 =	vld.idx.msk [tilespmem:v4+s14+$0x0], $0xffff;
	[tilespmem:s8+$0xFFFFFFE0] =	vst v10  }
0xc9: {  	[tilespmem:s8+$0xFFFFFFF0] =	vst v11  }
0xca: {  	[tilespmem:s8+$0xFFFFFFC0] =	vst v5  }
0xcb: {  	[tilespmem:s8+$0x0] =	vst v2  }
0xcc: {  	[tilespmem:s8+$0x10] =	vst v3  }
0xcd: {  	[tilespmem:s8+$0x20] =	vst v4  }
.LBB2_12:
.Ltmp11:
0xce: {  	(pc) =	sbr.rel @!p2 .LBB2_16-.Ltmp11, $1  }
0xcf: {  	_ =	sdelay $0x3  }
0xd0: {  	s0 =	simm.s32 $0x18740  }
0xd1: {  	v2 =	vld [tilespmem:s0+$0x30]  }
0xd2: {  	v3 =	vld [tilespmem:s0+$0xFFFFFFD0]  }
0xd3: {  	v4 =	vld [tilespmem:s0+$0xFFFFFFE0]  }
0xd4: {  	v5 =	vld [tilespmem:s0+$0xFFFFFFF0]  }
0xd5: {  	v6 =	vld [tilespmem:s0+$0x0]  }
0xd6: {  	v7 =	vld [tilespmem:s0+$0x10]  }
0xd7: {  	v8 =	vld [tilespmem:s0+$0x20]  }
0xd8: {  	s8 =	simm.s32 $0x187C0;
	v9 =	vld [tilespmem:s0+$0xFFFFFFC0]  }
0xd9: {  	v10 =	vld [tilespmem:s8+$0x30]  }
0xda: {  	v11 =	vld [tilespmem:s8+$0xFFFFFFD0];
	v2 =	vmul.u32 $0x5, v2  }
0xdb: {  	v12 =	vld [tilespmem:s8+$0xFFFFFFE0];
	v3 =	vmul.u32 $0x5, v3  }
0xdc: {  	v13 =	vld [tilespmem:s8+$0xFFFFFFF0];
	v4 =	vmul.u32 $0x5, v4;
	v2 =	vadd.s32 v1, v2  }
0xdd: {  	v14 =	vld [tilespmem:s8+$0x0];
	v5 =	vmul.u32 $0x5, v5;
	v3 =	vadd.s32 v1, v3  }
0xde: {  	v15 =	vld [tilespmem:s8+$0x10];
	v9 =	vmul.u32 $0x5, v9;
	v4 =	vadd.s32 v1, v4  }
0xdf: {  	v16 =	vld [tilespmem:s8+$0x20];
	v6 =	vmul.u32 $0x5, v6;
	v5 =	vadd.s32 v1, v5  }
0xe0: {  	v17 =	vld [tilespmem:s8+$0xFFFFFFC0];
	v7 =	vmul.u32 $0x5, v7;
	v9 =	vadd.s32 v1, v9  }
0xe1: {  	v8 =	vmul.u32 $0x5, v8;
	v6 =	vadd.s32 v1, v6;
	v2 =	vld.idx.msk [tilespmem:v2+s16+$0x0], $0xffff  }
0xe2: {  	v10 =	vmul.u32 $0x5, v10;
	v7 =	vadd.s32 v1, v7;
	v3 =	vld.idx.msk [tilespmem:v3+s16+$0x0], $0xffff  }
0xe3: {  	v11 =	vmul.u32 $0x5, v11;
	v8 =	vadd.s32 v1, v8;
	v4 =	vld.idx.msk [tilespmem:v4+s16+$0x0], $0xffff  }
0xe4: {  	v12 =	vmul.u32 $0x5, v12;
	v10 =	vadd.s32 v1, v10;
	v5 =	vld.idx.msk [tilespmem:v5+s16+$0x0], $0xffff  }
0xe5: {  	v13 =	vmul.u32 $0x5, v13;
	v11 =	vadd.s32 v1, v11;
	v18 =	vld.idx.msk [tilespmem:v9+s16+$0x0], $0xffff  }
0xe6: {  	v12 =	vadd.s32 v1, v12;
	v19 =	vld.idx.msk [tilespmem:v6+s16+$0x0], $0xffff  }
0xe7: {  	s0 =	simm.s32 $0x1A040;
	v13 =	vadd.s32 v1, v13;
	v6 =	vld.idx.msk [tilespmem:v7+s16+$0x0], $0xffff  }
0xe8: {  	v7 =	vld.idx.msk [tilespmem:v8+s16+$0x0], $0xffff;
	[tilespmem:s0+$0x30] =	vst v2  }
0xe9: {  	v8 =	vld.idx.msk [tilespmem:v10+s16+$0x0], $0xffff;
	[tilespmem:s0+$0xFFFFFFD0] =	vst v3  }
0xea: {  	v9 =	vld.idx.msk [tilespmem:v11+s16+$0x0], $0xffff;
	[tilespmem:s0+$0xFFFFFFE0] =	vst v4;
	v2 =	vmul.u32 $0x5, v14  }
0xeb: {  	v10 =	vld.idx.msk [tilespmem:v12+s16+$0x0], $0xffff;
	v3 =	vmul.u32 $0x5, v15;
	[tilespmem:s0+$0xFFFFFFF0] =	vst v5;
	v4 =	vmul.u32 $0x5, v16;
	v5 =	vmul.u32 $0x5, v17  }
0xec: {  	v11 =	vld.idx.msk [tilespmem:v13+s16+$0x0], $0xffff;
	[tilespmem:s0+$0xFFFFFFC0] =	vst v18;
	v2 =	vadd.s32 v1, v2  }
0xed: {  	s6 =	simm.s32 $0x8;
	s8 =	simm.s32 $0x18840;
	[tilespmem:s0+$0x0] =	vst v19;
	v3 =	vadd.s32 v1, v3;
	v4 =	vadd.s32 v1, v4;
	v5 =	vadd.s32 v1, v5  }
.LBB2_14:
0xee: {  	v12 =	vld [tilespmem:s8+$0x30];
	s6 =	sadd.s32 $0x8, s6;
	[tilespmem:s0+$0x10] =	vst v6  }
0xef: {  	v6 =	vld [tilespmem:s8+$0xFFFFFFD0];
	p4 =	slt.u32 s6, $0xC0;
	[tilespmem:s0+$0x20] =	vst v7;
	s0 =	sadd.s32 $0x80, s0  }
0xf0: {  	v7 =	vld [tilespmem:s8+$0xFFFFFFE0];
	[tilespmem:s0+$0x30] =	vst v8  }
0xf1: {  	v8 =	vld [tilespmem:s8+$0xFFFFFFF0];
	[tilespmem:s0+$0xFFFFFFD0] =	vst v9  }
0xf2: {  	v9 =	vld [tilespmem:s8+$0x0];
	[tilespmem:s0+$0xFFFFFFE0] =	vst v10  }
0xf3: {  	v10 =	vld [tilespmem:s8+$0x10];
	v12 =	vmul.u32 $0x5, v12;
	[tilespmem:s0+$0xFFFFFFF0] =	vst v11  }
0xf4: {  	v6 =	vmul.u32 $0x5, v6;
	v11 =	vld [tilespmem:s8+$0x20]  }
0xf5: {  	v13 =	vld [tilespmem:s8+$0xFFFFFFC0];
	v7 =	vmul.u32 $0x5, v7;
	v12 =	vadd.s32 v1, v12  }
0xf6: {  	v14 =	vadd.s32 v1, v6;
	v6 =	vmul.u32 $0x5, v8;
	v15 =	vld.idx.msk [tilespmem:v5+s16+$0x0], $0xffff  }
0xf7: {  	v16 =	vadd.s32 v1, v7;
	v5 =	vmul.u32 $0x5, v9;
	v17 =	vld.idx.msk [tilespmem:v2+s16+$0x0], $0xffff  }
0xf8: {  	v18 =	vadd.s32 v1, v6;
	v8 =	vmul.u32 $0x5, v10;
	v6 =	vld.idx.msk [tilespmem:v3+s16+$0x0], $0xffff  }
.Ltmp12:
0xf9: {  	v2 =	vadd.s32 v1, v5;
	v5 =	vmul.u32 $0x5, v11;
	v7 =	vld.idx.msk [tilespmem:v4+s16+$0x0], $0xffff;
	(pc) =	sbr.rel @p4 .LBB2_14-.Ltmp12, $4  }
0xfa: {  	v10 =	vmul.u32 $0x5, v13;
	v3 =	vadd.s32 v1, v8;
	v8 =	vld.idx.msk [tilespmem:v12+s16+$0x0], $0xffff  }
0xfb: {  	v9 =	vld.idx.msk [tilespmem:v14+s16+$0x0], $0xffff;
	v4 =	vadd.s32 v1, v5  }
0xfc: {  	v5 =	vadd.s32 v1, v10;
	v10 =	vld.idx.msk [tilespmem:v16+s16+$0x0], $0xffff;
	[tilespmem:s0+$0xFFFFFFC0] =	vst v15  }
0xfd: {  	s8 =	sadd.s32 $0x80, s8;
	v11 =	vld.idx.msk [tilespmem:v18+s16+$0x0], $0xffff;
	[tilespmem:s0+$0x0] =	vst v17  }
0xfe: {  	_ =	sdelay $0x2  }
0xff: {  	[tilespmem:s0+$0x10] =	vst v6  }
0x100: {  	[tilespmem:s0+$0x20] =	vst v7;
	s8 =	sadd.s32 $0x80, s0;
	v5 =	vld.idx.msk [tilespmem:v5+s16+$0x0], $0xffff  }
0x101: {  	v2 =	vld.idx.msk [tilespmem:v2+s16+$0x0], $0xffff;
	[tilespmem:s8+$0x30] =	vst v8  }
0x102: {  	v3 =	vld.idx.msk [tilespmem:v3+s16+$0x0], $0xffff;
	[tilespmem:s8+$0xFFFFFFD0] =	vst v9  }
0x103: {  	v4 =	vld.idx.msk [tilespmem:v4+s16+$0x0], $0xffff;
	[tilespmem:s8+$0xFFFFFFE0] =	vst v10  }
0x104: {  	[tilespmem:s8+$0xFFFFFFF0] =	vst v11  }
0x105: {  	[tilespmem:s8+$0xFFFFFFC0] =	vst v5  }
0x106: {  	[tilespmem:s8+$0x0] =	vst v2  }
0x107: {  	[tilespmem:s8+$0x10] =	vst v3  }
0x108: {  	[tilespmem:s8+$0x20] =	vst v4  }
.LBB2_16:
0x109: {  	p4 =	sne.s32 s29, $0x1F  }
.Ltmp13:
0x10a: {  	_ = 	snop;
	(pc) =	sbr.rel @p4 .LBB2_18-.Ltmp13, $4  }
0x10b: {  	s0 =	sadd.s32 s28, s31  }
0x10c: {  	s0 =	sshrl.u32 s0, $0x3  }
0x10d: {  	s0 =	sadd.s32 s3, s0  }
0x10e: {  	[hbm4b:s0+s5] =	stream.linear.scatter [tilespmem:s20], [sflag:$0x3], $0xC80, $0x38;
	[tilespmem:$0x1FAA0] =	vst v63  }
.Ltmp14:
0x10f: {  	(pc) =	sbr.rel .LBB2_19-.Ltmp14, $4  }
0x110: {  	_ = 	snop  }
0x111: {  	_ =	swait.ge [sflag:s21], $0xC80  }
0x112: {  	[sflag:s21] =	ssyncset.done $0x0  }
0x113: {  	[sflag:s21] =	ssyncadd.s32 $0xFFFFF380  }
.LBB2_18:
0x114: {  	s0 =	sadd.s32 $0x1900, s31  }
0x115: {  	s8 =	simm.s32 @!p0 $0x18700;
	s6 =	sadd.s32 @!p0 s0, s4  }
0x116: {  	[tilespmem:s8], [sflag:$0x1] =	stream.linear.gather @!p0 [spmem:s6], $0xC80, $0x38;
	[tilespmem:$0x1FAA0] =	vst v63  }
0x117: {  	s31 =	simm.s32 @!p1 $0x18700;
	s6 =	sshrl.u32 @!p1 s0, $0x3;
	s0 =	sshrl.u32 @p2 s0, $0x3  }
0x118: {  	s8 =	simm.s32 @!p1 $0x0;
	s6 =	sadd.s32 @!p1 s1, s6;
	s0 =	sadd.s32 @p2 s2, s0  }
0x119: {  	[tilespmem:s31], [sflag:$0x1] =	stream.linear.gather @!p1 [hbm4b:s6+s8], $0xC80, $0x38;
	[tilespmem:$0x1FAA0] =	vst v63  }
.Ltmp15:
0x11a: {  	s6 =	simm.s32 @p2 $0x0;
	s8 =	simm.s32 @p2 $0x18700;
	(pc) =	sbr.rel @p3 .LBB2_20-.Ltmp15, $4  }
0x11b: {  	[tilespmem:s8], [sflag:$0x1] =	stream.linear.gather @p2 [hbm4b:s0+s6], $0xC80, $0x38;
	[tilespmem:$0x1FAA0] =	vst v63  }
0x11c: {  	_ =	swait.ge [sflag:s21], $0xC80  }
0x11d: {  	[sflag:s21] =	ssyncset.done $0x0  }
0x11e: {  	[sflag:s21] =	ssyncadd.s32 $0xFFFFF380  }
.LBB2_19:
0x11f: {  	_ =	swait.ge [sflag:s22], $0xC80  }
0x120: {  	[sflag:s22] =	ssyncset.done $0x0  }
0x121: {  	[sflag:s22] =	ssyncadd.s32 $0xFFFFF380  }
.LBB2_20:
.Ltmp16:
0x122: {  	(pc) =	sbr.rel @p0 .LBB2_24-.Ltmp16, $1  }
0x123: {  	_ =	sdelay $0x3  }
0x124: {  	s0 =	simm.s32 $0x193C0  }
0x125: {  	v2 =	vld [tilespmem:s0+$0x30]  }
0x126: {  	v3 =	vld [tilespmem:s0+$0xFFFFFFD0]  }
0x127: {  	v4 =	vld [tilespmem:s0+$0xFFFFFFE0]  }
0x128: {  	v5 =	vld [tilespmem:s0+$0xFFFFFFF0]  }
0x129: {  	v6 =	vld [tilespmem:s0+$0x0]  }
0x12a: {  	v8 =	vld [tilespmem:s0+$0x10]  }
0x12b: {  	v9 =	vld [tilespmem:s0+$0x20]  }
0x12c: {  	v10 =	vld [tilespmem:s0+$0xFFFFFFC0]  }
0x12d: {  	v11 =	vld.idx.msk [tilespmem:v2+s5+$0x0], $0xffff  }
0x12e: {  	v12 =	vld.idx.msk [tilespmem:v3+s5+$0x0], $0xffff  }
0x12f: {  	v7 =	vld.idx.msk [tilespmem:v4+s5+$0x0], $0xffff  }
0x130: {  	v5 =	vld.idx.msk [tilespmem:v5+s5+$0x0], $0xffff  }
0x131: {  	v2 =	vld.idx.msk [tilespmem:v6+s5+$0x0], $0xffff  }
0x132: {  	s0 =	simm.s32 $0x1ACC0;
	v3 =	vld.idx.msk [tilespmem:v8+s5+$0x0], $0xffff  }
0x133: {  	v4 =	vld.idx.msk [tilespmem:v9+s5+$0x0], $0xffff;
	[tilespmem:s0+$0x30] =	vst v11  }
0x134: {  	s6 =	simm.s32 $0x0;
	s8 =	simm.s32 $0x19440;
	v6 =	vld.idx.msk [tilespmem:v10+s5+$0x0], $0xffff;
	[tilespmem:s0+$0xFFFFFFD0] =	vst v12  }
.LBB2_22:
0x135: {  	v8 =	vld [tilespmem:s8+$0x30];
	s6 =	sadd.s32 $0x8, s6;
	[tilespmem:s0+$0xFFFFFFE0] =	vst v7  }
0x136: {  	v7 =	vld [tilespmem:s8+$0xFFFFFFD0];
	p3 =	slt.u32 s6, $0xC0;
	[tilespmem:s0+$0xFFFFFFF0] =	vst v5  }
0x137: {  	v5 =	vld [tilespmem:s8+$0xFFFFFFE0];
	[tilespmem:s0+$0x0] =	vst v2  }
0x138: {  	v2 =	vld [tilespmem:s8+$0xFFFFFFF0];
	[tilespmem:s0+$0x10] =	vst v3  }
0x139: {  	v3 =	vld [tilespmem:s8+$0x0];
	[tilespmem:s0+$0x20] =	vst v4  }
0x13a: {  	v4 =	vld [tilespmem:s8+$0x10];
	[tilespmem:s0+$0xFFFFFFC0] =	vst v6  }
0x13b: {  	v6 =	vld [tilespmem:s8+$0x20]  }
0x13c: {  	v9 =	vld [tilespmem:s8+$0xFFFFFFC0]  }
0x13d: {  	v8 =	vld.idx.msk [tilespmem:v8+s5+$0x0], $0xffff  }
0x13e: {  	v10 =	vld.idx.msk [tilespmem:v7+s5+$0x0], $0xffff  }
0x13f: {  	v7 =	vld.idx.msk [tilespmem:v5+s5+$0x0], $0xffff  }
.Ltmp17:
0x140: {  	v5 =	vld.idx.msk [tilespmem:v2+s5+$0x0], $0xffff;
	(pc) =	sbr.rel @p3 .LBB2_22-.Ltmp17, $4  }
0x141: {  	v2 =	vld.idx.msk [tilespmem:v3+s5+$0x0], $0xffff  }
0x142: {  	s0 =	sadd.s32 $0x80, s0;
	v3 =	vld.idx.msk [tilespmem:v4+s5+$0x0], $0xffff  }
0x143: {  	v4 =	vld.idx.msk [tilespmem:v6+s5+$0x0], $0xffff;
	[tilespmem:s0+$0x30] =	vst v8  }
0x144: {  	s8 =	sadd.s32 $0x80, s8;
	v6 =	vld.idx.msk [tilespmem:v9+s5+$0x0], $0xffff;
	[tilespmem:s0+$0xFFFFFFD0] =	vst v10  }
0x145: {  	[tilespmem:s0+$0xFFFFFFE0] =	vst v7  }
0x146: {  	[tilespmem:s0+$0xFFFFFFF0] =	vst v5  }
0x147: {  	[tilespmem:s0+$0x0] =	vst v2  }
0x148: {  	[tilespmem:s0+$0x10] =	vst v3  }
0x149: {  	[tilespmem:s0+$0x20] =	vst v4  }
0x14a: {  	[tilespmem:s0+$0xFFFFFFC0] =	vst v6  }
.LBB2_24:
.Ltmp18:
0x14b: {  	(pc) =	sbr.rel @p1 .LBB2_28-.Ltmp18, $1  }
0x14c: {  	_ =	sdelay $0x3  }
0x14d: {  	s0 =	simm.s32 $0x193C0  }
0x14e: {  	v2 =	vld [tilespmem:s0+$0x30]  }
0x14f: {  	v3 =	vld [tilespmem:s0+$0xFFFFFFD0]  }
0x150: {  	v4 =	vld [tilespmem:s0+$0xFFFFFFE0]  }
0x151: {  	v5 =	vld [tilespmem:s0+$0xFFFFFFF0]  }
0x152: {  	v6 =	vld [tilespmem:s0+$0x0]  }
0x153: {  	v7 =	vld [tilespmem:s0+$0x10]  }
0x154: {  	v8 =	vld [tilespmem:s0+$0x20]  }
0x155: {  	s31 =	simm.s32 $0x19440;
	v9 =	vld [tilespmem:s0+$0xFFFFFFC0]  }
0x156: {  	v10 =	vld [tilespmem:s31+$0x30]  }
0x157: {  	v11 =	vld [tilespmem:s31+$0xFFFFFFD0];
	v2 =	vmul.u32 $0x5, v2  }
0x158: {  	v12 =	vld [tilespmem:s31+$0xFFFFFFE0];
	v3 =	vmul.u32 $0x5, v3  }
0x159: {  	v13 =	vld [tilespmem:s31+$0xFFFFFFF0];
	v4 =	vmul.u32 $0x5, v4;
	v2 =	vadd.s32 v0, v2  }
0x15a: {  	v14 =	vld [tilespmem:s31+$0x0];
	v5 =	vmul.u32 $0x5, v5;
	v3 =	vadd.s32 v0, v3  }
0x15b: {  	v15 =	vld [tilespmem:s31+$0x10];
	v9 =	vmul.u32 $0x5, v9;
	v4 =	vadd.s32 v0, v4  }
0x15c: {  	v16 =	vld [tilespmem:s31+$0x20];
	v6 =	vmul.u32 $0x5, v6;
	v5 =	vadd.s32 v0, v5  }
0x15d: {  	v17 =	vld [tilespmem:s31+$0xFFFFFFC0];
	v7 =	vmul.u32 $0x5, v7;
	v9 =	vadd.s32 v0, v9  }
0x15e: {  	v8 =	vmul.u32 $0x5, v8;
	v6 =	vadd.s32 v0, v6;
	v2 =	vld.idx.msk [tilespmem:v2+s14+$0x0], $0xffff  }
0x15f: {  	v10 =	vmul.u32 $0x5, v10;
	v7 =	vadd.s32 v0, v7;
	v3 =	vld.idx.msk [tilespmem:v3+s14+$0x0], $0xffff  }
0x160: {  	v11 =	vmul.u32 $0x5, v11;
	v8 =	vadd.s32 v0, v8;
	v4 =	vld.idx.msk [tilespmem:v4+s14+$0x0], $0xffff  }
0x161: {  	v12 =	vmul.u32 $0x5, v12;
	v10 =	vadd.s32 v0, v10;
	v5 =	vld.idx.msk [tilespmem:v5+s14+$0x0], $0xffff  }
0x162: {  	v13 =	vmul.u32 $0x5, v13;
	v11 =	vadd.s32 v0, v11;
	v18 =	vld.idx.msk [tilespmem:v9+s14+$0x0], $0xffff  }
0x163: {  	v12 =	vadd.s32 v0, v12;
	v19 =	vld.idx.msk [tilespmem:v6+s14+$0x0], $0xffff  }
0x164: {  	s0 =	simm.s32 $0x1ACC0;
	v13 =	vadd.s32 v0, v13;
	v6 =	vld.idx.msk [tilespmem:v7+s14+$0x0], $0xffff  }
0x165: {  	v7 =	vld.idx.msk [tilespmem:v8+s14+$0x0], $0xffff;
	[tilespmem:s0+$0x30] =	vst v2  }
0x166: {  	v8 =	vld.idx.msk [tilespmem:v10+s14+$0x0], $0xffff;
	[tilespmem:s0+$0xFFFFFFD0] =	vst v3  }
0x167: {  	v9 =	vld.idx.msk [tilespmem:v11+s14+$0x0], $0xffff;
	[tilespmem:s0+$0xFFFFFFE0] =	vst v4;
	v2 =	vmul.u32 $0x5, v14  }
0x168: {  	v10 =	vld.idx.msk [tilespmem:v12+s14+$0x0], $0xffff;
	v3 =	vmul.u32 $0x5, v15;
	[tilespmem:s0+$0xFFFFFFF0] =	vst v5;
	v4 =	vmul.u32 $0x5, v16;
	v5 =	vmul.u32 $0x5, v17  }
0x169: {  	v11 =	vld.idx.msk [tilespmem:v13+s14+$0x0], $0xffff;
	[tilespmem:s0+$0xFFFFFFC0] =	vst v18;
	v2 =	vadd.s32 v0, v2  }
0x16a: {  	s6 =	simm.s32 $0x8;
	s8 =	simm.s32 $0x194C0;
	[tilespmem:s0+$0x0] =	vst v19;
	v3 =	vadd.s32 v0, v3;
	v4 =	vadd.s32 v0, v4;
	v5 =	vadd.s32 v0, v5  }
.LBB2_26:
0x16b: {  	v12 =	vld [tilespmem:s8+$0x30];
	s6 =	sadd.s32 $0x8, s6;
	[tilespmem:s0+$0x10] =	vst v6  }
0x16c: {  	v6 =	vld [tilespmem:s8+$0xFFFFFFD0];
	p3 =	slt.u32 s6, $0xC0;
	[tilespmem:s0+$0x20] =	vst v7;
	s0 =	sadd.s32 $0x80, s0  }
0x16d: {  	v7 =	vld [tilespmem:s8+$0xFFFFFFE0];
	[tilespmem:s0+$0x30] =	vst v8  }
0x16e: {  	v8 =	vld [tilespmem:s8+$0xFFFFFFF0];
	[tilespmem:s0+$0xFFFFFFD0] =	vst v9  }
0x16f: {  	v9 =	vld [tilespmem:s8+$0x0];
	[tilespmem:s0+$0xFFFFFFE0] =	vst v10  }
0x170: {  	v10 =	vld [tilespmem:s8+$0x10];
	v12 =	vmul.u32 $0x5, v12;
	[tilespmem:s0+$0xFFFFFFF0] =	vst v11  }
0x171: {  	v6 =	vmul.u32 $0x5, v6;
	v11 =	vld [tilespmem:s8+$0x20]  }
0x172: {  	v13 =	vld [tilespmem:s8+$0xFFFFFFC0];
	v7 =	vmul.u32 $0x5, v7;
	v12 =	vadd.s32 v0, v12  }
0x173: {  	v14 =	vadd.s32 v0, v6;
	v6 =	vmul.u32 $0x5, v8;
	v15 =	vld.idx.msk [tilespmem:v5+s14+$0x0], $0xffff  }
0x174: {  	v16 =	vadd.s32 v0, v7;
	v5 =	vmul.u32 $0x5, v9;
	v17 =	vld.idx.msk [tilespmem:v2+s14+$0x0], $0xffff  }
0x175: {  	v18 =	vadd.s32 v0, v6;
	v8 =	vmul.u32 $0x5, v10;
	v6 =	vld.idx.msk [tilespmem:v3+s14+$0x0], $0xffff  }
.Ltmp19:
0x176: {  	v2 =	vadd.s32 v0, v5;
	v5 =	vmul.u32 $0x5, v11;
	v7 =	vld.idx.msk [tilespmem:v4+s14+$0x0], $0xffff;
	(pc) =	sbr.rel @p3 .LBB2_26-.Ltmp19, $4  }
0x177: {  	v10 =	vmul.u32 $0x5, v13;
	v3 =	vadd.s32 v0, v8;
	v8 =	vld.idx.msk [tilespmem:v12+s14+$0x0], $0xffff  }
0x178: {  	v9 =	vld.idx.msk [tilespmem:v14+s14+$0x0], $0xffff;
	v4 =	vadd.s32 v0, v5  }
0x179: {  	v5 =	vadd.s32 v0, v10;
	v10 =	vld.idx.msk [tilespmem:v16+s14+$0x0], $0xffff;
	[tilespmem:s0+$0xFFFFFFC0] =	vst v15  }
0x17a: {  	s8 =	sadd.s32 $0x80, s8;
	v11 =	vld.idx.msk [tilespmem:v18+s14+$0x0], $0xffff;
	[tilespmem:s0+$0x0] =	vst v17  }
0x17b: {  	_ =	sdelay $0x2  }
0x17c: {  	[tilespmem:s0+$0x10] =	vst v6  }
0x17d: {  	[tilespmem:s0+$0x20] =	vst v7;
	s31 =	sadd.s32 $0x80, s0;
	v5 =	vld.idx.msk [tilespmem:v5+s14+$0x0], $0xffff  }
0x17e: {  	v2 =	vld.idx.msk [tilespmem:v2+s14+$0x0], $0xffff;
	[tilespmem:s31+$0x30] =	vst v8  }
0x17f: {  	v3 =	vld.idx.msk [tilespmem:v3+s14+$0x0], $0xffff;
	[tilespmem:s31+$0xFFFFFFD0] =	vst v9  }
0x180: {  	v4 =	vld.idx.msk [tilespmem:v4+s14+$0x0], $0xffff;
	[tilespmem:s31+$0xFFFFFFE0] =	vst v10  }
0x181: {  	[tilespmem:s31+$0xFFFFFFF0] =	vst v11  }
0x182: {  	[tilespmem:s31+$0xFFFFFFC0] =	vst v5  }
0x183: {  	[tilespmem:s31+$0x0] =	vst v2  }
0x184: {  	[tilespmem:s31+$0x10] =	vst v3  }
0x185: {  	[tilespmem:s31+$0x20] =	vst v4  }
.LBB2_28:
.Ltmp20:
0x186: {  	(pc) =	sbr.rel @!p2 .LBB2_32-.Ltmp20, $1  }
0x187: {  	_ =	sdelay $0x3  }
0x188: {  	s0 =	simm.s32 $0x193C0  }
0x189: {  	v2 =	vld [tilespmem:s0+$0x30]  }
0x18a: {  	v3 =	vld [tilespmem:s0+$0xFFFFFFD0]  }
0x18b: {  	v4 =	vld [tilespmem:s0+$0xFFFFFFE0]  }
0x18c: {  	v5 =	vld [tilespmem:s0+$0xFFFFFFF0]  }
0x18d: {  	v6 =	vld [tilespmem:s0+$0x0]  }
0x18e: {  	v7 =	vld [tilespmem:s0+$0x10]  }
0x18f: {  	v8 =	vld [tilespmem:s0+$0x20]  }
0x190: {  	s31 =	simm.s32 $0x19440;
	v9 =	vld [tilespmem:s0+$0xFFFFFFC0]  }
0x191: {  	v10 =	vld [tilespmem:s31+$0x30]  }
0x192: {  	v11 =	vld [tilespmem:s31+$0xFFFFFFD0];
	v2 =	vmul.u32 $0x5, v2  }
0x193: {  	v12 =	vld [tilespmem:s31+$0xFFFFFFE0];
	v3 =	vmul.u32 $0x5, v3  }
0x194: {  	v13 =	vld [tilespmem:s31+$0xFFFFFFF0];
	v4 =	vmul.u32 $0x5, v4;
	v2 =	vadd.s32 v1, v2  }
0x195: {  	v14 =	vld [tilespmem:s31+$0x0];
	v5 =	vmul.u32 $0x5, v5;
	v3 =	vadd.s32 v1, v3  }
0x196: {  	v15 =	vld [tilespmem:s31+$0x10];
	v9 =	vmul.u32 $0x5, v9;
	v4 =	vadd.s32 v1, v4  }
0x197: {  	v16 =	vld [tilespmem:s31+$0x20];
	v6 =	vmul.u32 $0x5, v6;
	v5 =	vadd.s32 v1, v5  }
0x198: {  	v17 =	vld [tilespmem:s31+$0xFFFFFFC0];
	v7 =	vmul.u32 $0x5, v7;
	v9 =	vadd.s32 v1, v9  }
0x199: {  	v8 =	vmul.u32 $0x5, v8;
	v6 =	vadd.s32 v1, v6;
	v2 =	vld.idx.msk [tilespmem:v2+s16+$0x0], $0xffff  }
0x19a: {  	v10 =	vmul.u32 $0x5, v10;
	v7 =	vadd.s32 v1, v7;
	v3 =	vld.idx.msk [tilespmem:v3+s16+$0x0], $0xffff  }
0x19b: {  	v11 =	vmul.u32 $0x5, v11;
	v8 =	vadd.s32 v1, v8;
	v4 =	vld.idx.msk [tilespmem:v4+s16+$0x0], $0xffff  }
0x19c: {  	v12 =	vmul.u32 $0x5, v12;
	v10 =	vadd.s32 v1, v10;
	v5 =	vld.idx.msk [tilespmem:v5+s16+$0x0], $0xffff  }
0x19d: {  	v13 =	vmul.u32 $0x5, v13;
	v11 =	vadd.s32 v1, v11;
	v18 =	vld.idx.msk [tilespmem:v9+s16+$0x0], $0xffff  }
0x19e: {  	v12 =	vadd.s32 v1, v12;
	v19 =	vld.idx.msk [tilespmem:v6+s16+$0x0], $0xffff  }
0x19f: {  	s0 =	simm.s32 $0x1ACC0;
	v13 =	vadd.s32 v1, v13;
	v6 =	vld.idx.msk [tilespmem:v7+s16+$0x0], $0xffff  }
0x1a0: {  	v7 =	vld.idx.msk [tilespmem:v8+s16+$0x0], $0xffff;
	[tilespmem:s0+$0x30] =	vst v2  }
0x1a1: {  	v8 =	vld.idx.msk [tilespmem:v10+s16+$0x0], $0xffff;
	[tilespmem:s0+$0xFFFFFFD0] =	vst v3  }
0x1a2: {  	v9 =	vld.idx.msk [tilespmem:v11+s16+$0x0], $0xffff;
	[tilespmem:s0+$0xFFFFFFE0] =	vst v4;
	v2 =	vmul.u32 $0x5, v14  }
0x1a3: {  	v10 =	vld.idx.msk [tilespmem:v12+s16+$0x0], $0xffff;
	v3 =	vmul.u32 $0x5, v15;
	[tilespmem:s0+$0xFFFFFFF0] =	vst v5;
	v4 =	vmul.u32 $0x5, v16;
	v5 =	vmul.u32 $0x5, v17  }
0x1a4: {  	v11 =	vld.idx.msk [tilespmem:v13+s16+$0x0], $0xffff;
	[tilespmem:s0+$0xFFFFFFC0] =	vst v18;
	v2 =	vadd.s32 v1, v2  }
0x1a5: {  	s6 =	simm.s32 $0x8;
	s8 =	simm.s32 $0x194C0;
	[tilespmem:s0+$0x0] =	vst v19;
	v3 =	vadd.s32 v1, v3;
	v4 =	vadd.s32 v1, v4;
	v5 =	vadd.s32 v1, v5  }
.LBB2_30:
0x1a6: {  	v12 =	vld [tilespmem:s8+$0x30];
	s6 =	sadd.s32 $0x8, s6;
	[tilespmem:s0+$0x10] =	vst v6  }
0x1a7: {  	v6 =	vld [tilespmem:s8+$0xFFFFFFD0];
	p3 =	slt.u32 s6, $0xC0;
	[tilespmem:s0+$0x20] =	vst v7;
	s0 =	sadd.s32 $0x80, s0  }
0x1a8: {  	v7 =	vld [tilespmem:s8+$0xFFFFFFE0];
	[tilespmem:s0+$0x30] =	vst v8  }
0x1a9: {  	v8 =	vld [tilespmem:s8+$0xFFFFFFF0];
	[tilespmem:s0+$0xFFFFFFD0] =	vst v9  }
0x1aa: {  	v9 =	vld [tilespmem:s8+$0x0];
	[tilespmem:s0+$0xFFFFFFE0] =	vst v10  }
0x1ab: {  	v10 =	vld [tilespmem:s8+$0x10];
	v12 =	vmul.u32 $0x5, v12;
	[tilespmem:s0+$0xFFFFFFF0] =	vst v11  }
0x1ac: {  	v6 =	vmul.u32 $0x5, v6;
	v11 =	vld [tilespmem:s8+$0x20]  }
0x1ad: {  	v13 =	vld [tilespmem:s8+$0xFFFFFFC0];
	v7 =	vmul.u32 $0x5, v7;
	v12 =	vadd.s32 v1, v12  }
0x1ae: {  	v14 =	vadd.s32 v1, v6;
	v6 =	vmul.u32 $0x5, v8;
	v15 =	vld.idx.msk [tilespmem:v5+s16+$0x0], $0xffff  }
0x1af: {  	v16 =	vadd.s32 v1, v7;
	v5 =	vmul.u32 $0x5, v9;
	v17 =	vld.idx.msk [tilespmem:v2+s16+$0x0], $0xffff  }
0x1b0: {  	v18 =	vadd.s32 v1, v6;
	v8 =	vmul.u32 $0x5, v10;
	v6 =	vld.idx.msk [tilespmem:v3+s16+$0x0], $0xffff  }
.Ltmp21:
0x1b1: {  	v2 =	vadd.s32 v1, v5;
	v5 =	vmul.u32 $0x5, v11;
	v7 =	vld.idx.msk [tilespmem:v4+s16+$0x0], $0xffff;
	(pc) =	sbr.rel @p3 .LBB2_30-.Ltmp21, $4  }
0x1b2: {  	v10 =	vmul.u32 $0x5, v13;
	v3 =	vadd.s32 v1, v8;
	v8 =	vld.idx.msk [tilespmem:v12+s16+$0x0], $0xffff  }
0x1b3: {  	v9 =	vld.idx.msk [tilespmem:v14+s16+$0x0], $0xffff;
	v4 =	vadd.s32 v1, v5  }
0x1b4: {  	v5 =	vadd.s32 v1, v10;
	v10 =	vld.idx.msk [tilespmem:v16+s16+$0x0], $0xffff;
	[tilespmem:s0+$0xFFFFFFC0] =	vst v15  }
0x1b5: {  	s8 =	sadd.s32 $0x80, s8;
	v11 =	vld.idx.msk [tilespmem:v18+s16+$0x0], $0xffff;
	[tilespmem:s0+$0x0] =	vst v17  }
.Ltmp22:
0x1b6: {  	_ = 	snop;
	(pc) =	sbr.rel .LBB2_31-.Ltmp22, $1  }
0x1b7: {  	_ =	sdelay $0x3  }
.LBB2_36:
0x1b8: {  	_ =	sfence.sel $0x180000  }
0x1b9: {  	[bflag:$0x0] =	sbarrier.arrive $0xFFFF  }
0x1ba: {  	_ =	strace $0x90000047  }
0x1bb: {  	s0 =	stileid.u32;
	[bflag:$0x2] =	sbarrier.arrive $0xFFFF  }
0x1bc: {  	p0 =	sne.s32 s0, $0x0;
	s0 =	rddreg [dreg:$0x6]  }
0x1bd: {  	s0 =	sadd.s32 @!p0 $0x100000, s0  }
0x1be: {  	[sflag:s0] =	ssyncadd.tile.s32 @!p0 $0x1;
	_ =	shalt  }
.Lfunc_end2:
_tile_overlayer_lowered:
.L_overlay_start_2:
0x1bf: {  	(tag) =	ssettag $0x2  }
0x1c0: {  	s0 =	rddreg [dreg:$0x0];
	s2 =	stileid.u32  }
0x1c1: {  	s1 =	rddreg [dreg:$0x1];
	p0 =	sne.s32 s2, $0x0  }
0x1c2: {  	s3 =	rddreg [dreg:$0x2];
	[bflag:$0x3] =	sbarrier.arrive $0xFFFF;
	s2 =	simm.s32 @!p0 $0x1C05  }
0x1c3: {  	[timem:s3], [sflag:s2] =	dma.local @!p0 [hbm:s0], s1  }
0x1c4: {  	s0 =	simm.s32 @!p0 $0x5  }
0x1c5: {  	_ =	swait.ge @!p0 [sflag:s0], s1  }
0x1c6: {  	s1 =	ssub.s32 @!p0 $0x0, s1;
	[sflag:s0] =	ssyncset.done @!p0 $0x0  }
0x1c7: {  	[sflag:s0] =	ssyncadd.s32 @!p0 s1  }
0x1c8: {  	[bflag:$0x3] =	sbarrier.arrive $0xFFFF  }
0x1c9: {  	_ =	shalt  }

</sc_bundles>
